<compile_context>
chip_gen: v7x
topology: tpu7x:2x2x1
jax: 0.10.2.dev20260603
libtpu: 0.0.44.dev20260713+nightly
codegen_flags: <defaults>
</compile_context>

<pallas_src>
import functools

import jax
import jax.numpy as jnp
from jax import lax
from jax.experimental import pallas as pl
from jax.experimental.pallas import tpu as pltpu
from jax.experimental.pallas import tpu_sc as plsc

_N = 10000
_E = 320000
_DIN = 128
_DOUT = 128
_DH = _DOUT // 2
_NS = 16
_EPT = _E // _NS
_C = 80
_G = _EPT // _C
_RPT = _N // _NS
_NB = 4


def _matmul_body(x_ref, w_ref, o_ref):
    o_ref[...] = jnp.dot(x_ref[...], w_ref[...],
                         preferred_element_type=jnp.float32)


def _support_matmul(x, w):
    bm = 1000
    return pl.pallas_call(
        _matmul_body,
        grid=(_N // bm,),
        in_specs=[
            pl.BlockSpec((bm, _DIN), lambda i: (i, 0)),
            pl.BlockSpec((_DIN, _DOUT), lambda i: (0, 0)),
        ],
        out_specs=pl.BlockSpec((bm, _DOUT), lambda i: (i, 0)),
        out_shape=jax.ShapeDtypeStruct((_N, _DOUT), jnp.float32),
    )(x, w)


def _sc_body(table, src3, dst3, adj3, zeros, out,
             src_v, dst_v, adj_v, rows_v, acc, gsem, ssem):
    c = lax.axis_index("c")
    s = lax.axis_index("s")

    pltpu.sync_copy(zeros, acc.at[pl.ds(s * _RPT, _RPT)])

    pltpu.sync_copy(src3.at[s], src_v)
    pltpu.sync_copy(dst3.at[s], dst_v)
    pltpu.sync_copy(adj3.at[s], adj_v)

    base = c * _N

    def rebase_row(g, carry):
        for k in range(_C // 16):
            sl = (g, pl.ds(k * 16, 16))
            src_v[sl] = src_v[sl] + base
        return carry

    lax.fori_loop(0, _G, rebase_row, 0)
    plsc.subcore_barrier()

    for k in range(_NB):
        pltpu.async_copy(table.at[src_v.at[k]], rows_v.at[k], gsem.at[k])

    def chunk(g, carry):
        b = lax.rem(g, _NB)
        pltpu.make_async_copy(table.at[src_v.at[g]], rows_v.at[b],
                              gsem.at[b]).wait()

        def edge_group(grp, inner):
            e0 = grp * 16
            av = adj_v[g, pl.ds(e0, 16)]
            for i in range(16):
                a = av[i]
                for j in range(_DH // 16):
                    sl = (b, e0 + i, pl.ds(j * 16, 16))
                    rows_v[sl] = rows_v[sl] * a
            return inner

        lax.fori_loop(0, _C // 16, edge_group, 0)
        pltpu.async_copy(rows_v.at[b], acc.at[dst_v.at[g]], ssem.at[b],
                         add=True)

        @pl.when((g >= 1) & (g + (_NB - 1) < _G))
        def _prefetch():
            pb = lax.rem(g - 1, _NB)
            pltpu.make_async_copy(rows_v.at[pb], acc.at[dst_v.at[g - 1]],
                                  ssem.at[pb]).wait()
            pltpu.async_copy(table.at[src_v.at[g + (_NB - 1)]],
                             rows_v.at[pb], gsem.at[pb])

        return carry

    lax.fori_loop(0, _G, chunk, 0)

    for k in range(_G - _NB, _G):
        b = k % _NB
        pltpu.make_async_copy(rows_v.at[b], acc.at[dst_v.at[k]],
                              ssem.at[b]).wait()
    plsc.subcore_barrier()

    pltpu.sync_copy(acc.at[pl.ds(s * _RPT, _RPT)],
                    out.at[pl.ds(s * _RPT, _RPT), pl.ds(c * _DH, _DH)])


_sc_call = pl.kernel(
    _sc_body,
    mesh=plsc.VectorSubcoreMesh(core_axis_name="c", subcore_axis_name="s"),
    out_type=jax.ShapeDtypeStruct((_N, _DOUT), jnp.float32),
    scratch_types=[
        pltpu.VMEM((_G, _C), jnp.int32),
        pltpu.VMEM((_G, _C), jnp.int32),
        pltpu.VMEM((_G, _C), jnp.float32),
        pltpu.VMEM((_NB, _C, _DH), jnp.float32),
        pltpu.VMEM_SHARED((_N, _DH), jnp.float32),
        pltpu.SemaphoreType.DMA((_NB,)),
        pltpu.SemaphoreType.DMA((_NB,)),
    ],
    compiler_params=pltpu.CompilerParams(use_tc_tiling_on_sc=False),
)


def kernel(input, edge_index, adj_values, weight):
    x = input.astype(jnp.float32)
    w = weight.astype(jnp.float32)
    support = _support_matmul(x, w)
    table = jnp.concatenate([support[:, :_DH], support[:, _DH:]], axis=0)
    src = edge_index[1].astype(jnp.int32).reshape(_NS, _G, _C)
    dst = edge_index[0].astype(jnp.int32).reshape(_NS, _G, _C)
    adj = adj_values.astype(jnp.float32).reshape(_NS, _G, _C)
    zeros = jnp.zeros((_RPT, _DH), jnp.float32)
    return _sc_call(table, src, dst, adj, zeros)

# --- scband reference (transcript-rebuilt; emitter-appended) ---
"""Pipeline reference for scband-graph-convolution-31301721653273 (READ-ONLY COPY).

The authoritative reference and input builder live on the scoring server;
editing this copy changes nothing except your own understanding.
"""

import jax, jax.numpy as jnp
import numpy as np

N = 10000
E = 320000
DIN = 128
DOUT = 128


def setup_inputs(seed: int = 0) -> dict:
    key = jax.random.key(seed)
    k1, k2, k3, k4 = jax.random.split(key, 4)
    inp = {}
    inp["input"] = jax.random.normal(k1, (N, DIN), dtype=jnp.float32)
    inp["edge_index"] = jax.random.randint(k2, (2, E), 0, N, dtype=jnp.int64)
    inp["adj_values"] = jax.random.uniform(k3, (E,), dtype=jnp.float32)
    inp["weight"] = jax.random.normal(k4, (DIN, DOUT), dtype=jnp.float32) * (1.0 / np.sqrt(DIN))
    return inp


def reference(input, edge_index, adj_values, weight):
    # F.dropout with training=False is the identity (eval mode), so omitted.
    # support = input.mm(weight)
    support = jnp.dot(input, weight)
    # torch.sparse.mm(adj, support): adj is sparse COO with
    # rows = edge_index[0] (dst), cols = edge_index[1] (src), values = adj_values.
    # output[i] = sum over edges e with dst==i of adj_values[e] * support[src[e]]
    dst = edge_index[0]
    src = edge_index[1]
    msgs = jnp.take(support, src, axis=0) * adj_values[:, None]
    output = jax.ops.segment_sum(msgs, dst, num_segments=N)
    return output

if __name__ == "__main__":
    import jax
    _d = setup_inputs()
    print(jax.jit(kernel)(*tuple(_d.values())))

</pallas_src>

<mosaic_0001>
#map = affine_map<(d0, d1) -> (0, 0)>
#map1 = affine_map<(d0, d1) -> (0, 0, 0)>
module attributes {stable_mosaic.version = 14 : i64} {
  func.func @_sc_body(%arg0: i32, %arg1: i32, %arg2: memref<20000x64xf32, #tpu.memory_space<hbm>>, %arg3: memref<16x250x80xi32, #tpu.memory_space<hbm>>, %arg4: memref<16x250x80xi32, #tpu.memory_space<hbm>>, %arg5: memref<16x250x80xf32, #tpu.memory_space<hbm>>, %arg6: memref<625x64xf32, #tpu.memory_space<hbm>>, %arg7: memref<10000x128xf32, #tpu.memory_space<hbm>>, %arg8: memref<250x80xi32, #tpu.memory_space<vmem>>, %arg9: memref<250x80xi32, #tpu.memory_space<vmem>>, %arg10: memref<250x80xf32, #tpu.memory_space<vmem>>, %arg11: memref<4x80x64xf32, #tpu.memory_space<vmem>>, %arg12: memref<10000x64xf32, #tpu.memory_space<vmem_shared>>, %arg13: memref<4x!tpu.dma_semaphore, #tpu.memory_space<semaphore_mem>>, %arg14: memref<4x!tpu.dma_semaphore, #tpu.memory_space<semaphore_mem>>) attributes {dimension_semantics = [#tpu.dimension_semantics<core_parallel>, #tpu.dimension_semantics<subcore_parallel>], iteration_bounds = array<i64: 2, 16>, scalar_prefetch = 0 : i64, scratch_operands = 7 : i64, tpu.core_type = #tpu.core_type<sc_vector_subcore>, window_params = [{transform_indices = #map}, {transform_indices = #map1}, {transform_indices = #map1}, {transform_indices = #map1}, {transform_indices = #map}, {transform_indices = #map}]} {
    %mul3A = arith.constant 625 : i32
    %mul3A_0 = arith.muli %arg1, %mul3A : i32
    "tpu.region"() ({
      %run_scoped3A = tpu.sem_alloc : memref<!tpu.dma_semaphore, #tpu.memory_space<semaphore_mem>>
      %dma_start3A_139 = arith.constant 0 : i32
      %dma_start3A_140 = tpu.memref_slice %arg12[%mul3A_0, %dma_start3A_139] : memref<10000x64xf32, #tpu.memory_space<vmem_shared>> -> memref<625x64xf32, #tpu.memory_space<vmem_shared>>
      tpu.enqueue_dma source(%arg6 : memref<625x64xf32, #tpu.memory_space<hbm>>) target(%dma_start3A_140 : memref<625x64xf32, #tpu.memory_space<vmem_shared>>) target_semaphore(%run_scoped3A : memref<!tpu.dma_semaphore, #tpu.memory_space<semaphore_mem>>)
      %dma_wait3A_141 = arith.constant 0 : i32
      %dma_wait3A_142 = tpu.memref_slice %arg12[%mul3A_0, %dma_wait3A_141] : memref<10000x64xf32, #tpu.memory_space<vmem_shared>> -> memref<625x64xf32, #tpu.memory_space<vmem_shared>>
      tpu.wait_dma2 semaphore(%run_scoped3A : memref<!tpu.dma_semaphore, #tpu.memory_space<semaphore_mem>>) src(%arg6 : memref<625x64xf32, #tpu.memory_space<hbm>>) dst(%dma_wait3A_142 : memref<625x64xf32, #tpu.memory_space<vmem_shared>>)
      tpu.yield
    }) : () -> ()
    "tpu.region"() ({
      %run_scoped3A = tpu.sem_alloc : memref<!tpu.dma_semaphore, #tpu.memory_space<semaphore_mem>>
      %dma_start3A_139 = arith.constant 0 : i32
      %dma_start3A_140 = arith.constant 0 : i32
      %dma_start3A_141 = tpu.memref_slice %arg3[%arg1, %dma_start3A_139, %dma_start3A_140] : memref<16x250x80xi32, #tpu.memory_space<hbm>> -> memref<1x250x80xi32, #tpu.memory_space<hbm>>
      %dma_start3A_142 = tpu.memref_squeeze %dma_start3A_141 : memref<1x250x80xi32, #tpu.memory_space<hbm>> -> memref<250x80xi32, #tpu.memory_space<hbm>>
      %dma_start3A_143 = arith.constant 0 : i32
      %dma_start3A_144 = arith.constant 0 : i32
      %dma_start3A_145 = tpu.memref_slice %arg3[%arg1, %dma_start3A_143, %dma_start3A_144] : memref<16x250x80xi32, #tpu.memory_space<hbm>> -> memref<1x250x80xi32, #tpu.memory_space<hbm>>
      %dma_start3A_146 = tpu.memref_squeeze %dma_start3A_145 : memref<1x250x80xi32, #tpu.memory_space<hbm>> -> memref<250x80xi32, #tpu.memory_space<hbm>>
      tpu.enqueue_dma source(%dma_start3A_146 : memref<250x80xi32, #tpu.memory_space<hbm>>) target(%arg8 : memref<250x80xi32, #tpu.memory_space<vmem>>) target_semaphore(%run_scoped3A : memref<!tpu.dma_semaphore, #tpu.memory_space<semaphore_mem>>)
      %dma_wait3A_147 = arith.constant 0 : i32
      %dma_wait3A_148 = arith.constant 0 : i32
      %dma_wait3A_149 = tpu.memref_slice %arg3[%arg1, %dma_wait3A_147, %dma_wait3A_148] : memref<16x250x80xi32, #tpu.memory_space<hbm>> -> memref<1x250x80xi32, #tpu.memory_space<hbm>>
      %dma_wait3A_150 = tpu.memref_squeeze %dma_wait3A_149 : memref<1x250x80xi32, #tpu.memory_space<hbm>> -> memref<250x80xi32, #tpu.memory_space<hbm>>
      %dma_wait3A_151 = arith.constant 0 : i32
      %dma_wait3A_152 = arith.constant 0 : i32
      %dma_wait3A_153 = tpu.memref_slice %arg3[%arg1, %dma_wait3A_151, %dma_wait3A_152] : memref<16x250x80xi32, #tpu.memory_space<hbm>> -> memref<1x250x80xi32, #tpu.memory_space<hbm>>
      %dma_wait3A_154 = tpu.memref_squeeze %dma_wait3A_153 : memref<1x250x80xi32, #tpu.memory_space<hbm>> -> memref<250x80xi32, #tpu.memory_space<hbm>>
      tpu.wait_dma2 semaphore(%run_scoped3A : memref<!tpu.dma_semaphore, #tpu.memory_space<semaphore_mem>>) src(%dma_wait3A_154 : memref<250x80xi32, #tpu.memory_space<hbm>>) dst(%arg8 : memref<250x80xi32, #tpu.memory_space<vmem>>)
      tpu.yield
    }) : () -> ()
    "tpu.region"() ({
      %run_scoped3A = tpu.sem_alloc : memref<!tpu.dma_semaphore, #tpu.memory_space<semaphore_mem>>
      %dma_start3A_139 = arith.constant 0 : i32
      %dma_start3A_140 = arith.constant 0 : i32
      %dma_start3A_141 = tpu.memref_slice %arg4[%arg1, %dma_start3A_139, %dma_start3A_140] : memref<16x250x80xi32, #tpu.memory_space<hbm>> -> memref<1x250x80xi32, #tpu.memory_space<hbm>>
      %dma_start3A_142 = tpu.memref_squeeze %dma_start3A_141 : memref<1x250x80xi32, #tpu.memory_space<hbm>> -> memref<250x80xi32, #tpu.memory_space<hbm>>
      %dma_start3A_143 = arith.constant 0 : i32
      %dma_start3A_144 = arith.constant 0 : i32
      %dma_start3A_145 = tpu.memref_slice %arg4[%arg1, %dma_start3A_143, %dma_start3A_144] : memref<16x250x80xi32, #tpu.memory_space<hbm>> -> memref<1x250x80xi32, #tpu.memory_space<hbm>>
      %dma_start3A_146 = tpu.memref_squeeze %dma_start3A_145 : memref<1x250x80xi32, #tpu.memory_space<hbm>> -> memref<250x80xi32, #tpu.memory_space<hbm>>
      tpu.enqueue_dma source(%dma_start3A_146 : memref<250x80xi32, #tpu.memory_space<hbm>>) target(%arg9 : memref<250x80xi32, #tpu.memory_space<vmem>>) target_semaphore(%run_scoped3A : memref<!tpu.dma_semaphore, #tpu.memory_space<semaphore_mem>>)
      %dma_wait3A_147 = arith.constant 0 : i32
      %dma_wait3A_148 = arith.constant 0 : i32
      %dma_wait3A_149 = tpu.memref_slice %arg4[%arg1, %dma_wait3A_147, %dma_wait3A_148] : memref<16x250x80xi32, #tpu.memory_space<hbm>> -> memref<1x250x80xi32, #tpu.memory_space<hbm>>
      %dma_wait3A_150 = tpu.memref_squeeze %dma_wait3A_149 : memref<1x250x80xi32, #tpu.memory_space<hbm>> -> memref<250x80xi32, #tpu.memory_space<hbm>>
      %dma_wait3A_151 = arith.constant 0 : i32
      %dma_wait3A_152 = arith.constant 0 : i32
      %dma_wait3A_153 = tpu.memref_slice %arg4[%arg1, %dma_wait3A_151, %dma_wait3A_152] : memref<16x250x80xi32, #tpu.memory_space<hbm>> -> memref<1x250x80xi32, #tpu.memory_space<hbm>>
      %dma_wait3A_154 = tpu.memref_squeeze %dma_wait3A_153 : memref<1x250x80xi32, #tpu.memory_space<hbm>> -> memref<250x80xi32, #tpu.memory_space<hbm>>
      tpu.wait_dma2 semaphore(%run_scoped3A : memref<!tpu.dma_semaphore, #tpu.memory_space<semaphore_mem>>) src(%dma_wait3A_154 : memref<250x80xi32, #tpu.memory_space<hbm>>) dst(%arg9 : memref<250x80xi32, #tpu.memory_space<vmem>>)
      tpu.yield
    }) : () -> ()
    "tpu.region"() ({
      %run_scoped3A = tpu.sem_alloc : memref<!tpu.dma_semaphore, #tpu.memory_space<semaphore_mem>>
      %dma_start3A_139 = arith.constant 0 : i32
      %dma_start3A_140 = arith.constant 0 : i32
      %dma_start3A_141 = tpu.memref_slice %arg5[%arg1, %dma_start3A_139, %dma_start3A_140] : memref<16x250x80xf32, #tpu.memory_space<hbm>> -> memref<1x250x80xf32, #tpu.memory_space<hbm>>
      %dma_start3A_142 = tpu.memref_squeeze %dma_start3A_141 : memref<1x250x80xf32, #tpu.memory_space<hbm>> -> memref<250x80xf32, #tpu.memory_space<hbm>>
      %dma_start3A_143 = arith.constant 0 : i32
      %dma_start3A_144 = arith.constant 0 : i32
      %dma_start3A_145 = tpu.memref_slice %arg5[%arg1, %dma_start3A_143, %dma_start3A_144] : memref<16x250x80xf32, #tpu.memory_space<hbm>> -> memref<1x250x80xf32, #tpu.memory_space<hbm>>
      %dma_start3A_146 = tpu.memref_squeeze %dma_start3A_145 : memref<1x250x80xf32, #tpu.memory_space<hbm>> -> memref<250x80xf32, #tpu.memory_space<hbm>>
      tpu.enqueue_dma source(%dma_start3A_146 : memref<250x80xf32, #tpu.memory_space<hbm>>) target(%arg10 : memref<250x80xf32, #tpu.memory_space<vmem>>) target_semaphore(%run_scoped3A : memref<!tpu.dma_semaphore, #tpu.memory_space<semaphore_mem>>)
      %dma_wait3A_147 = arith.constant 0 : i32
      %dma_wait3A_148 = arith.constant 0 : i32
      %dma_wait3A_149 = tpu.memref_slice %arg5[%arg1, %dma_wait3A_147, %dma_wait3A_148] : memref<16x250x80xf32, #tpu.memory_space<hbm>> -> memref<1x250x80xf32, #tpu.memory_space<hbm>>
      %dma_wait3A_150 = tpu.memref_squeeze %dma_wait3A_149 : memref<1x250x80xf32, #tpu.memory_space<hbm>> -> memref<250x80xf32, #tpu.memory_space<hbm>>
      %dma_wait3A_151 = arith.constant 0 : i32
      %dma_wait3A_152 = arith.constant 0 : i32
      %dma_wait3A_153 = tpu.memref_slice %arg5[%arg1, %dma_wait3A_151, %dma_wait3A_152] : memref<16x250x80xf32, #tpu.memory_space<hbm>> -> memref<1x250x80xf32, #tpu.memory_space<hbm>>
      %dma_wait3A_154 = tpu.memref_squeeze %dma_wait3A_153 : memref<1x250x80xf32, #tpu.memory_space<hbm>> -> memref<250x80xf32, #tpu.memory_space<hbm>>
      tpu.wait_dma2 semaphore(%run_scoped3A : memref<!tpu.dma_semaphore, #tpu.memory_space<semaphore_mem>>) src(%dma_wait3A_154 : memref<250x80xf32, #tpu.memory_space<hbm>>) dst(%arg10 : memref<250x80xf32, #tpu.memory_space<vmem>>)
      tpu.yield
    }) : () -> ()
    %mul3A_1 = arith.constant 10000 : i32
    %mul3A_2 = arith.muli %arg0, %mul3A_1 : i32
    %scan3A = arith.constant 0 : i32
    %scan3A_3 = arith.constant 0 : i32
    %scan3A_4 = arith.constant 250 : i32
    %scan3A_5 = arith.addi %scan3A_3, %scan3A_4 : i32
    %scan3A_6 = arith.constant 1 : i32
    scf.for %scan3A_139 = %scan3A_3 to %scan3A_5 step %scan3A_6  : i32 {
      %get3A = arith.index_cast %scan3A_139 : i32 to index
      %get3A_140 = arith.constant 0 : index
      %get3A_141 = tpu.vector_load %arg8[%get3A, %get3A_140] {strides = array<i32>} : memref<250x80xi32, #tpu.memory_space<vmem>>, vector<1x16xi32>,
      %get3A_142 = vector.shape_cast %get3A_141 : vector<1x16xi32> to vector<16xi32>
      %add3A = vector.broadcast %mul3A_2 : i32 to vector<16xi32>
      %add3A_143 = arith.addi %get3A_142, %add3A : vector<16xi32>
      %swap3A = arith.index_cast %scan3A_139 : i32 to index
      %swap3A_144 = arith.constant 0 : index
      %swap3A_145 = tpu.vector_load %arg8[%swap3A, %swap3A_144] {strides = array<i32>} : memref<250x80xi32, #tpu.memory_space<vmem>>, vector<1x16xi32>,
      %swap3A_146 = vector.shape_cast %swap3A_145 : vector<1x16xi32> to vector<16xi32>
      %swap3A_147 = vector.shape_cast %add3A_143 : vector<16xi32> to vector<1x16xi32>
      tpu.vector_store %arg8[%swap3A, %swap3A_144], %swap3A_147 {strides = array<i32>} : memref<250x80xi32, #tpu.memory_space<vmem>>, vector<1x16xi32>,
      %get3A_148 = arith.index_cast %scan3A_139 : i32 to index
      %get3A_149 = arith.constant 16 : index
      %get3A_150 = tpu.vector_load %arg8[%get3A_148, %get3A_149] {strides = array<i32>} : memref<250x80xi32, #tpu.memory_space<vmem>>, vector<1x16xi32>,
      %get3A_151 = vector.shape_cast %get3A_150 : vector<1x16xi32> to vector<16xi32>
      %add3A_152 = vector.broadcast %mul3A_2 : i32 to vector<16xi32>
      %add3A_153 = arith.addi %get3A_151, %add3A_152 : vector<16xi32>
      %swap3A_154 = arith.index_cast %scan3A_139 : i32 to index
      %swap3A_155 = arith.constant 16 : index
      %swap3A_156 = tpu.vector_load %arg8[%swap3A_154, %swap3A_155] {strides = array<i32>} : memref<250x80xi32, #tpu.memory_space<vmem>>, vector<1x16xi32>,
      %swap3A_157 = vector.shape_cast %swap3A_156 : vector<1x16xi32> to vector<16xi32>
      %swap3A_158 = vector.shape_cast %add3A_153 : vector<16xi32> to vector<1x16xi32>
      tpu.vector_store %arg8[%swap3A_154, %swap3A_155], %swap3A_158 {strides = array<i32>} : memref<250x80xi32, #tpu.memory_space<vmem>>, vector<1x16xi32>,
      %get3A_159 = arith.index_cast %scan3A_139 : i32 to index
      %get3A_160 = arith.constant 32 : index
      %get3A_161 = tpu.vector_load %arg8[%get3A_159, %get3A_160] {strides = array<i32>} : memref<250x80xi32, #tpu.memory_space<vmem>>, vector<1x16xi32>,
      %get3A_162 = vector.shape_cast %get3A_161 : vector<1x16xi32> to vector<16xi32>
      %add3A_163 = vector.broadcast %mul3A_2 : i32 to vector<16xi32>
      %add3A_164 = arith.addi %get3A_162, %add3A_163 : vector<16xi32>
      %swap3A_165 = arith.index_cast %scan3A_139 : i32 to index
      %swap3A_166 = arith.constant 32 : index
      %swap3A_167 = tpu.vector_load %arg8[%swap3A_165, %swap3A_166] {strides = array<i32>} : memref<250x80xi32, #tpu.memory_space<vmem>>, vector<1x16xi32>,
      %swap3A_168 = vector.shape_cast %swap3A_167 : vector<1x16xi32> to vector<16xi32>
      %swap3A_169 = vector.shape_cast %add3A_164 : vector<16xi32> to vector<1x16xi32>
      tpu.vector_store %arg8[%swap3A_165, %swap3A_166], %swap3A_169 {strides = array<i32>} : memref<250x80xi32, #tpu.memory_space<vmem>>, vector<1x16xi32>,
      %get3A_170 = arith.index_cast %scan3A_139 : i32 to index
      %get3A_171 = arith.constant 48 : index
      %get3A_172 = tpu.vector_load %arg8[%get3A_170, %get3A_171] {strides = array<i32>} : memref<250x80xi32, #tpu.memory_space<vmem>>, vector<1x16xi32>,
      %get3A_173 = vector.shape_cast %get3A_172 : vector<1x16xi32> to vector<16xi32>
      %add3A_174 = vector.broadcast %mul3A_2 : i32 to vector<16xi32>
      %add3A_175 = arith.addi %get3A_173, %add3A_174 : vector<16xi32>
      %swap3A_176 = arith.index_cast %scan3A_139 : i32 to index
      %swap3A_177 = arith.constant 48 : index
      %swap3A_178 = tpu.vector_load %arg8[%swap3A_176, %swap3A_177] {strides = array<i32>} : memref<250x80xi32, #tpu.memory_space<vmem>>, vector<1x16xi32>,
      %swap3A_179 = vector.shape_cast %swap3A_178 : vector<1x16xi32> to vector<16xi32>
      %swap3A_180 = vector.shape_cast %add3A_175 : vector<16xi32> to vector<1x16xi32>
      tpu.vector_store %arg8[%swap3A_176, %swap3A_177], %swap3A_180 {strides = array<i32>} : memref<250x80xi32, #tpu.memory_space<vmem>>, vector<1x16xi32>,
      %get3A_181 = arith.index_cast %scan3A_139 : i32 to index
      %get3A_182 = arith.constant 64 : index
      %get3A_183 = tpu.vector_load %arg8[%get3A_181, %get3A_182] {strides = array<i32>} : memref<250x80xi32, #tpu.memory_space<vmem>>, vector<1x16xi32>,
      %get3A_184 = vector.shape_cast %get3A_183 : vector<1x16xi32> to vector<16xi32>
      %add3A_185 = vector.broadcast %mul3A_2 : i32 to vector<16xi32>
      %add3A_186 = arith.addi %get3A_184, %add3A_185 : vector<16xi32>
      %swap3A_187 = arith.index_cast %scan3A_139 : i32 to index
      %swap3A_188 = arith.constant 64 : index
      %swap3A_189 = tpu.vector_load %arg8[%swap3A_187, %swap3A_188] {strides = array<i32>} : memref<250x80xi32, #tpu.memory_space<vmem>>, vector<1x16xi32>,
      %swap3A_190 = vector.shape_cast %swap3A_189 : vector<1x16xi32> to vector<16xi32>
      %swap3A_191 = vector.shape_cast %add3A_186 : vector<16xi32> to vector<1x16xi32>
      tpu.vector_store %arg8[%swap3A_187, %swap3A_188], %swap3A_191 {strides = array<i32>} : memref<250x80xi32, #tpu.memory_space<vmem>>, vector<1x16xi32>,
    }
    %scan3A_7 = arith.constant 250 : i32
    %barrier3A = arith.constant 0 : index
    tpu.barrier barrier_id(%barrier3A)
    %dma_start3A = arith.constant 0 : i32
    %dma_start3A_8 = arith.constant 0 : i32
    %dma_start3A_9 = arith.constant 0 : i32
    %dma_start3A_10 = arith.constant 0 : i32
    %dma_start3A_11 = arith.constant 0 : i32
    %dma_start3A_12 = tpu.memref_slice %arg11[%dma_start3A_8, %dma_start3A_10, %dma_start3A_11] : memref<4x80x64xf32, #tpu.memory_space<vmem>> -> memref<1x80x64xf32, #tpu.memory_space<vmem>>
    %dma_start3A_13 = tpu.memref_squeeze %dma_start3A_12 : memref<1x80x64xf32, #tpu.memory_space<vmem>> -> memref<80x64xf32, #tpu.memory_space<vmem>>
    %dma_start3A_14 = arith.constant 0 : i32
    %dma_start3A_15 = tpu.memref_slice %arg8[%dma_start3A, %dma_start3A_14] : memref<250x80xi32, #tpu.memory_space<vmem>> -> memref<1x80xi32, #tpu.memory_space<vmem>>
    %dma_start3A_16 = tpu.memref_squeeze %dma_start3A_15 : memref<1x80xi32, #tpu.memory_space<vmem>> -> memref<80xi32, #tpu.memory_space<vmem>>
    %dma_start3A_17 = arith.constant 0 : i32
    %dma_start3A_18 = arith.constant 0 : i32
    %dma_start3A_19 = tpu.memref_slice %arg2[%dma_start3A_17, %dma_start3A_18] : memref<20000x64xf32, #tpu.memory_space<hbm>> -> memref<20000x64xf32, #tpu.memory_space<hbm>>
    %dma_start3A_20 = tpu.memref_slice %arg13[%dma_start3A_9] : memref<4x!tpu.dma_semaphore, #tpu.memory_space<semaphore_mem>> -> memref<1x!tpu.dma_semaphore, #tpu.memory_space<semaphore_mem>>
    %dma_start3A_21 = tpu.memref_squeeze %dma_start3A_20 : memref<1x!tpu.dma_semaphore, #tpu.memory_space<semaphore_mem>> -> memref<!tpu.dma_semaphore, #tpu.memory_space<semaphore_mem>>
    tpu.enqueue_indirect_dma source(%dma_start3A_19 : memref<20000x64xf32, #tpu.memory_space<hbm>>) target(%dma_start3A_13 : memref<80x64xf32, #tpu.memory_space<vmem>>) offsets(%dma_start3A_16 : memref<80xi32, #tpu.memory_space<vmem>>) semaphore(%dma_start3A_21 : memref<!tpu.dma_semaphore, #tpu.memory_space<semaphore_mem>>)
    %dma_start3A_22 = arith.constant 1 : i32
    %dma_start3A_23 = arith.constant 1 : i32
    %dma_start3A_24 = arith.constant 1 : i32
    %dma_start3A_25 = arith.constant 0 : i32
    %dma_start3A_26 = arith.constant 0 : i32
    %dma_start3A_27 = tpu.memref_slice %arg11[%dma_start3A_23, %dma_start3A_25, %dma_start3A_26] : memref<4x80x64xf32, #tpu.memory_space<vmem>> -> memref<1x80x64xf32, #tpu.memory_space<vmem>>
    %dma_start3A_28 = tpu.memref_squeeze %dma_start3A_27 : memref<1x80x64xf32, #tpu.memory_space<vmem>> -> memref<80x64xf32, #tpu.memory_space<vmem>>
    %dma_start3A_29 = arith.constant 0 : i32
    %dma_start3A_30 = tpu.memref_slice %arg8[%dma_start3A_22, %dma_start3A_29] : memref<250x80xi32, #tpu.memory_space<vmem>> -> memref<1x80xi32, #tpu.memory_space<vmem>>
    %dma_start3A_31 = tpu.memref_squeeze %dma_start3A_30 : memref<1x80xi32, #tpu.memory_space<vmem>> -> memref<80xi32, #tpu.memory_space<vmem>>
    %dma_start3A_32 = arith.constant 0 : i32
    %dma_start3A_33 = arith.constant 0 : i32
    %dma_start3A_34 = tpu.memref_slice %arg2[%dma_start3A_32, %dma_start3A_33] : memref<20000x64xf32, #tpu.memory_space<hbm>> -> memref<20000x64xf32, #tpu.memory_space<hbm>>
    %dma_start3A_35 = tpu.memref_slice %arg13[%dma_start3A_24] : memref<4x!tpu.dma_semaphore, #tpu.memory_space<semaphore_mem>> -> memref<1x!tpu.dma_semaphore, #tpu.memory_space<semaphore_mem>>
    %dma_start3A_36 = tpu.memref_squeeze %dma_start3A_35 : memref<1x!tpu.dma_semaphore, #tpu.memory_space<semaphore_mem>> -> memref<!tpu.dma_semaphore, #tpu.memory_space<semaphore_mem>>
    tpu.enqueue_indirect_dma source(%dma_start3A_34 : memref<20000x64xf32, #tpu.memory_space<hbm>>) target(%dma_start3A_28 : memref<80x64xf32, #tpu.memory_space<vmem>>) offsets(%dma_start3A_31 : memref<80xi32, #tpu.memory_space<vmem>>) semaphore(%dma_start3A_36 : memref<!tpu.dma_semaphore, #tpu.memory_space<semaphore_mem>>)
    %dma_start3A_37 = arith.constant 2 : i32
    %dma_start3A_38 = arith.constant 2 : i32
    %dma_start3A_39 = arith.constant 2 : i32
    %dma_start3A_40 = arith.constant 0 : i32
    %dma_start3A_41 = arith.constant 0 : i32
    %dma_start3A_42 = tpu.memref_slice %arg11[%dma_start3A_38, %dma_start3A_40, %dma_start3A_41] : memref<4x80x64xf32, #tpu.memory_space<vmem>> -> memref<1x80x64xf32, #tpu.memory_space<vmem>>
    %dma_start3A_43 = tpu.memref_squeeze %dma_start3A_42 : memref<1x80x64xf32, #tpu.memory_space<vmem>> -> memref<80x64xf32, #tpu.memory_space<vmem>>
    %dma_start3A_44 = arith.constant 0 : i32
    %dma_start3A_45 = tpu.memref_slice %arg8[%dma_start3A_37, %dma_start3A_44] : memref<250x80xi32, #tpu.memory_space<vmem>> -> memref<1x80xi32, #tpu.memory_space<vmem>>
    %dma_start3A_46 = tpu.memref_squeeze %dma_start3A_45 : memref<1x80xi32, #tpu.memory_space<vmem>> -> memref<80xi32, #tpu.memory_space<vmem>>
    %dma_start3A_47 = arith.constant 0 : i32
    %dma_start3A_48 = arith.constant 0 : i32
    %dma_start3A_49 = tpu.memref_slice %arg2[%dma_start3A_47, %dma_start3A_48] : memref<20000x64xf32, #tpu.memory_space<hbm>> -> memref<20000x64xf32, #tpu.memory_space<hbm>>
    %dma_start3A_50 = tpu.memref_slice %arg13[%dma_start3A_39] : memref<4x!tpu.dma_semaphore, #tpu.memory_space<semaphore_mem>> -> memref<1x!tpu.dma_semaphore, #tpu.memory_space<semaphore_mem>>
    %dma_start3A_51 = tpu.memref_squeeze %dma_start3A_50 : memref<1x!tpu.dma_semaphore, #tpu.memory_space<semaphore_mem>> -> memref<!tpu.dma_semaphore, #tpu.memory_space<semaphore_mem>>
    tpu.enqueue_indirect_dma source(%dma_start3A_49 : memref<20000x64xf32, #tpu.memory_space<hbm>>) target(%dma_start3A_43 : memref<80x64xf32, #tpu.memory_space<vmem>>) offsets(%dma_start3A_46 : memref<80xi32, #tpu.memory_space<vmem>>) semaphore(%dma_start3A_51 : memref<!tpu.dma_semaphore, #tpu.memory_space<semaphore_mem>>)
    %dma_start3A_52 = arith.constant 3 : i32
    %dma_start3A_53 = arith.constant 3 : i32
    %dma_start3A_54 = arith.constant 3 : i32
    %dma_start3A_55 = arith.constant 0 : i32
    %dma_start3A_56 = arith.constant 0 : i32
    %dma_start3A_57 = tpu.memref_slice %arg11[%dma_start3A_53, %dma_start3A_55, %dma_start3A_56] : memref<4x80x64xf32, #tpu.memory_space<vmem>> -> memref<1x80x64xf32, #tpu.memory_space<vmem>>
    %dma_start3A_58 = tpu.memref_squeeze %dma_start3A_57 : memref<1x80x64xf32, #tpu.memory_space<vmem>> -> memref<80x64xf32, #tpu.memory_space<vmem>>
    %dma_start3A_59 = arith.constant 0 : i32
    %dma_start3A_60 = tpu.memref_slice %arg8[%dma_start3A_52, %dma_start3A_59] : memref<250x80xi32, #tpu.memory_space<vmem>> -> memref<1x80xi32, #tpu.memory_space<vmem>>
    %dma_start3A_61 = tpu.memref_squeeze %dma_start3A_60 : memref<1x80xi32, #tpu.memory_space<vmem>> -> memref<80xi32, #tpu.memory_space<vmem>>
    %dma_start3A_62 = arith.constant 0 : i32
    %dma_start3A_63 = arith.constant 0 : i32
    %dma_start3A_64 = tpu.memref_slice %arg2[%dma_start3A_62, %dma_start3A_63] : memref<20000x64xf32, #tpu.memory_space<hbm>> -> memref<20000x64xf32, #tpu.memory_space<hbm>>
    %dma_start3A_65 = tpu.memref_slice %arg13[%dma_start3A_54] : memref<4x!tpu.dma_semaphore, #tpu.memory_space<semaphore_mem>> -> memref<1x!tpu.dma_semaphore, #tpu.memory_space<semaphore_mem>>
    %dma_start3A_66 = tpu.memref_squeeze %dma_start3A_65 : memref<1x!tpu.dma_semaphore, #tpu.memory_space<semaphore_mem>> -> memref<!tpu.dma_semaphore, #tpu.memory_space<semaphore_mem>>
    tpu.enqueue_indirect_dma source(%dma_start3A_64 : memref<20000x64xf32, #tpu.memory_space<hbm>>) target(%dma_start3A_58 : memref<80x64xf32, #tpu.memory_space<vmem>>) offsets(%dma_start3A_61 : memref<80xi32, #tpu.memory_space<vmem>>) semaphore(%dma_start3A_66 : memref<!tpu.dma_semaphore, #tpu.memory_space<semaphore_mem>>)
    %scan3A_67 = arith.constant 0 : i32
    %scan3A_68 = arith.constant 0 : i32
    %scan3A_69 = arith.constant 250 : i32
    %scan3A_70 = arith.addi %scan3A_68, %scan3A_69 : i32
    %scan3A_71 = arith.constant 1 : i32
    scf.for %scan3A_139 = %scan3A_68 to %scan3A_70 step %scan3A_71  : i32 {
      %rem3A = arith.constant 4 : i32
      %rem3A_140 = arith.remsi %scan3A_139, %rem3A : i32
      %dma_wait3A_141 = arith.constant 0 : i32
      %dma_wait3A_142 = arith.constant 0 : i32
      %dma_wait3A_143 = tpu.memref_slice %arg11[%rem3A_140, %dma_wait3A_141, %dma_wait3A_142] : memref<4x80x64xf32, #tpu.memory_space<vmem>> -> memref<1x80x64xf32, #tpu.memory_space<vmem>>
      %dma_wait3A_144 = tpu.memref_squeeze %dma_wait3A_143 : memref<1x80x64xf32, #tpu.memory_space<vmem>> -> memref<80x64xf32, #tpu.memory_space<vmem>>
      %dma_wait3A_145 = arith.constant 0 : i32
      %dma_wait3A_146 = tpu.memref_slice %arg8[%scan3A_139, %dma_wait3A_145] : memref<250x80xi32, #tpu.memory_space<vmem>> -> memref<1x80xi32, #tpu.memory_space<vmem>>
      %dma_wait3A_147 = tpu.memref_squeeze %dma_wait3A_146 : memref<1x80xi32, #tpu.memory_space<vmem>> -> memref<80xi32, #tpu.memory_space<vmem>>
      %dma_wait3A_148 = arith.constant 0 : i32
      %dma_wait3A_149 = arith.constant 0 : i32
      %dma_wait3A_150 = tpu.memref_slice %arg2[%dma_wait3A_148, %dma_wait3A_149] : memref<20000x64xf32, #tpu.memory_space<hbm>> -> memref<20000x64xf32, #tpu.memory_space<hbm>>
      %dma_wait3A_151 = tpu.memref_slice %arg13[%rem3A_140] : memref<4x!tpu.dma_semaphore, #tpu.memory_space<semaphore_mem>> -> memref<1x!tpu.dma_semaphore, #tpu.memory_space<semaphore_mem>>
      %dma_wait3A_152 = tpu.memref_squeeze %dma_wait3A_151 : memref<1x!tpu.dma_semaphore, #tpu.memory_space<semaphore_mem>> -> memref<!tpu.dma_semaphore, #tpu.memory_space<semaphore_mem>>
      tpu.wait_indirect_dma semaphore(%dma_wait3A_152 : memref<!tpu.dma_semaphore, #tpu.memory_space<semaphore_mem>>) src(%dma_wait3A_150 : memref<20000x64xf32, #tpu.memory_space<hbm>>) dst(%dma_wait3A_144 : memref<80x64xf32, #tpu.memory_space<vmem>>)
      %scan3A_153 = arith.constant 0 : i32
      %scan3A_154 = arith.constant 0 : i32
      %scan3A_155 = arith.constant 5 : i32
      %scan3A_156 = arith.addi %scan3A_154, %scan3A_155 : i32
      %scan3A_157 = arith.constant 1 : i32
      scf.for %scan3A_175 = %scan3A_154 to %scan3A_156 step %scan3A_157  : i32 {
        %mul3A_176 = arith.constant 16 : i32
        %mul3A_177 = arith.muli %scan3A_175, %mul3A_176 : i32
        %get3A = arith.index_cast %scan3A_139 : i32 to index
        %get3A_178 = arith.index_cast %mul3A_177 : i32 to index
        %get3A_179 = tpu.vector_load %arg10[%get3A, %get3A_178] {strides = array<i32>} : memref<250x80xf32, #tpu.memory_space<vmem>>, vector<1x16xf32>,
        %get3A_180 = vector.shape_cast %get3A_179 : vector<1x16xf32> to vector<16xf32>
        %slice3A = vector.extract_strided_slice %get3A_180 {offsets = [0], sizes = [1], strides = [1]} : vector<16xf32> to vector<1xf32>
        %squeeze3A = vector.extract %slice3A[0] : f32 from vector<1xf32>
        %add3A_181 = arith.constant 0 : i32
        %add3A_182 = arith.addi %mul3A_177, %add3A_181 : i32
        %get3A_183 = arith.index_cast %rem3A_140 : i32 to index
        %get3A_184 = arith.index_cast %add3A_182 : i32 to index
        %get3A_185 = arith.constant 0 : index
        %get3A_186 = tpu.vector_load %arg11[%get3A_183, %get3A_184, %get3A_185] {strides = array<i32>} : memref<4x80x64xf32, #tpu.memory_space<vmem>>, vector<1x1x16xf32>,
        %get3A_187 = vector.shape_cast %get3A_186 : vector<1x1x16xf32> to vector<16xf32>
        %mul3A_188 = vector.broadcast %squeeze3A : f32 to vector<16xf32>
        %mul3A_189 = arith.mulf %get3A_187, %mul3A_188 : vector<16xf32>
        %swap3A = arith.index_cast %rem3A_140 : i32 to index
        %swap3A_190 = arith.index_cast %add3A_182 : i32 to index
        %swap3A_191 = arith.constant 0 : index
        %swap3A_192 = tpu.vector_load %arg11[%swap3A, %swap3A_190, %swap3A_191] {strides = array<i32>} : memref<4x80x64xf32, #tpu.memory_space<vmem>>, vector<1x1x16xf32>,
        %swap3A_193 = vector.shape_cast %swap3A_192 : vector<1x1x16xf32> to vector<16xf32>
        %swap3A_194 = vector.shape_cast %mul3A_189 : vector<16xf32> to vector<1x1x16xf32>
        tpu.vector_store %arg11[%swap3A, %swap3A_190, %swap3A_191], %swap3A_194 {strides = array<i32>} : memref<4x80x64xf32, #tpu.memory_space<vmem>>, vector<1x1x16xf32>,
        %add3A_195 = arith.constant 0 : i32
        %add3A_196 = arith.addi %mul3A_177, %add3A_195 : i32
        %get3A_197 = arith.index_cast %rem3A_140 : i32 to index
        %get3A_198 = arith.index_cast %add3A_196 : i32 to index
        %get3A_199 = arith.constant 16 : index
        %get3A_200 = tpu.vector_load %arg11[%get3A_197, %get3A_198, %get3A_199] {strides = array<i32>} : memref<4x80x64xf32, #tpu.memory_space<vmem>>, vector<1x1x16xf32>,
        %get3A_201 = vector.shape_cast %get3A_200 : vector<1x1x16xf32> to vector<16xf32>
        %mul3A_202 = vector.broadcast %squeeze3A : f32 to vector<16xf32>
        %mul3A_203 = arith.mulf %get3A_201, %mul3A_202 : vector<16xf32>
        %swap3A_204 = arith.index_cast %rem3A_140 : i32 to index
        %swap3A_205 = arith.index_cast %add3A_196 : i32 to index
        %swap3A_206 = arith.constant 16 : index
        %swap3A_207 = tpu.vector_load %arg11[%swap3A_204, %swap3A_205, %swap3A_206] {strides = array<i32>} : memref<4x80x64xf32, #tpu.memory_space<vmem>>, vector<1x1x16xf32>,
        %swap3A_208 = vector.shape_cast %swap3A_207 : vector<1x1x16xf32> to vector<16xf32>
        %swap3A_209 = vector.shape_cast %mul3A_203 : vector<16xf32> to vector<1x1x16xf32>
        tpu.vector_store %arg11[%swap3A_204, %swap3A_205, %swap3A_206], %swap3A_209 {strides = array<i32>} : memref<4x80x64xf32, #tpu.memory_space<vmem>>, vector<1x1x16xf32>,
        %add3A_210 = arith.constant 0 : i32
        %add3A_211 = arith.addi %mul3A_177, %add3A_210 : i32
        %get3A_212 = arith.index_cast %rem3A_140 : i32 to index
        %get3A_213 = arith.index_cast %add3A_211 : i32 to index
        %get3A_214 = arith.constant 32 : index
        %get3A_215 = tpu.vector_load %arg11[%get3A_212, %get3A_213, %get3A_214] {strides = array<i32>} : memref<4x80x64xf32, #tpu.memory_space<vmem>>, vector<1x1x16xf32>,
        %get3A_216 = vector.shape_cast %get3A_215 : vector<1x1x16xf32> to vector<16xf32>
        %mul3A_217 = vector.broadcast %squeeze3A : f32 to vector<16xf32>
        %mul3A_218 = arith.mulf %get3A_216, %mul3A_217 : vector<16xf32>
        %swap3A_219 = arith.index_cast %rem3A_140 : i32 to index
        %swap3A_220 = arith.index_cast %add3A_211 : i32 to index
        %swap3A_221 = arith.constant 32 : index
        %swap3A_222 = tpu.vector_load %arg11[%swap3A_219, %swap3A_220, %swap3A_221] {strides = array<i32>} : memref<4x80x64xf32, #tpu.memory_space<vmem>>, vector<1x1x16xf32>,
        %swap3A_223 = vector.shape_cast %swap3A_222 : vector<1x1x16xf32> to vector<16xf32>
        %swap3A_224 = vector.shape_cast %mul3A_218 : vector<16xf32> to vector<1x1x16xf32>
        tpu.vector_store %arg11[%swap3A_219, %swap3A_220, %swap3A_221], %swap3A_224 {strides = array<i32>} : memref<4x80x64xf32, #tpu.memory_space<vmem>>, vector<1x1x16xf32>,
        %add3A_225 = arith.constant 0 : i32
        %add3A_226 = arith.addi %mul3A_177, %add3A_225 : i32
        %get3A_227 = arith.index_cast %rem3A_140 : i32 to index
        %get3A_228 = arith.index_cast %add3A_226 : i32 to index
        %get3A_229 = arith.constant 48 : index
        %get3A_230 = tpu.vector_load %arg11[%get3A_227, %get3A_228, %get3A_229] {strides = array<i32>} : memref<4x80x64xf32, #tpu.memory_space<vmem>>, vector<1x1x16xf32>,
        %get3A_231 = vector.shape_cast %get3A_230 : vector<1x1x16xf32> to vector<16xf32>
        %mul3A_232 = vector.broadcast %squeeze3A : f32 to vector<16xf32>
        %mul3A_233 = arith.mulf %get3A_231, %mul3A_232 : vector<16xf32>
        %swap3A_234 = arith.index_cast %rem3A_140 : i32 to index
        %swap3A_235 = arith.index_cast %add3A_226 : i32 to index
        %swap3A_236 = arith.constant 48 : index
        %swap3A_237 = tpu.vector_load %arg11[%swap3A_234, %swap3A_235, %swap3A_236] {strides = array<i32>} : memref<4x80x64xf32, #tpu.memory_space<vmem>>, vector<1x1x16xf32>,
        %swap3A_238 = vector.shape_cast %swap3A_237 : vector<1x1x16xf32> to vector<16xf32>
        %swap3A_239 = vector.shape_cast %mul3A_233 : vector<16xf32> to vector<1x1x16xf32>
        tpu.vector_store %arg11[%swap3A_234, %swap3A_235, %swap3A_236], %swap3A_239 {strides = array<i32>} : memref<4x80x64xf32, #tpu.memory_space<vmem>>, vector<1x1x16xf32>,
        %slice3A_240 = vector.extract_strided_slice %get3A_180 {offsets = [1], sizes = [1], strides = [1]} : vector<16xf32> to vector<1xf32>
        %squeeze3A_241 = vector.extract %slice3A_240[0] : f32 from vector<1xf32>
        %add3A_242 = arith.constant 1 : i32
        %add3A_243 = arith.addi %mul3A_177, %add3A_242 : i32
        %get3A_244 = arith.index_cast %rem3A_140 : i32 to index
        %get3A_245 = arith.index_cast %add3A_243 : i32 to index
        %get3A_246 = arith.constant 0 : index
        %get3A_247 = tpu.vector_load %arg11[%get3A_244, %get3A_245, %get3A_246] {strides = array<i32>} : memref<4x80x64xf32, #tpu.memory_space<vmem>>, vector<1x1x16xf32>,
        %get3A_248 = vector.shape_cast %get3A_247 : vector<1x1x16xf32> to vector<16xf32>
        %mul3A_249 = vector.broadcast %squeeze3A_241 : f32 to vector<16xf32>
        %mul3A_250 = arith.mulf %get3A_248, %mul3A_249 : vector<16xf32>
        %swap3A_251 = arith.index_cast %rem3A_140 : i32 to index
        %swap3A_252 = arith.index_cast %add3A_243 : i32 to index
        %swap3A_253 = arith.constant 0 : index
        %swap3A_254 = tpu.vector_load %arg11[%swap3A_251, %swap3A_252, %swap3A_253] {strides = array<i32>} : memref<4x80x64xf32, #tpu.memory_space<vmem>>, vector<1x1x16xf32>,
        %swap3A_255 = vector.shape_cast %swap3A_254 : vector<1x1x16xf32> to vector<16xf32>
        %swap3A_256 = vector.shape_cast %mul3A_250 : vector<16xf32> to vector<1x1x16xf32>
        tpu.vector_store %arg11[%swap3A_251, %swap3A_252, %swap3A_253], %swap3A_256 {strides = array<i32>} : memref<4x80x64xf32, #tpu.memory_space<vmem>>, vector<1x1x16xf32>,
        %add3A_257 = arith.constant 1 : i32
        %add3A_258 = arith.addi %mul3A_177, %add3A_257 : i32
        %get3A_259 = arith.index_cast %rem3A_140 : i32 to index
        %get3A_260 = arith.index_cast %add3A_258 : i32 to index
        %get3A_261 = arith.constant 16 : index
        %get3A_262 = tpu.vector_load %arg11[%get3A_259, %get3A_260, %get3A_261] {strides = array<i32>} : memref<4x80x64xf32, #tpu.memory_space<vmem>>, vector<1x1x16xf32>,
        %get3A_263 = vector.shape_cast %get3A_262 : vector<1x1x16xf32> to vector<16xf32>
        %mul3A_264 = vector.broadcast %squeeze3A_241 : f32 to vector<16xf32>
        %mul3A_265 = arith.mulf %get3A_263, %mul3A_264 : vector<16xf32>
        %swap3A_266 = arith.index_cast %rem3A_140 : i32 to index
        %swap3A_267 = arith.index_cast %add3A_258 : i32 to index
        %swap3A_268 = arith.constant 16 : index
        %swap3A_269 = tpu.vector_load %arg11[%swap3A_266, %swap3A_267, %swap3A_268] {strides = array<i32>} : memref<4x80x64xf32, #tpu.memory_space<vmem>>, vector<1x1x16xf32>,
        %swap3A_270 = vector.shape_cast %swap3A_269 : vector<1x1x16xf32> to vector<16xf32>
        %swap3A_271 = vector.shape_cast %mul3A_265 : vector<16xf32> to vector<1x1x16xf32>
        tpu.vector_store %arg11[%swap3A_266, %swap3A_267, %swap3A_268], %swap3A_271 {strides = array<i32>} : memref<4x80x64xf32, #tpu.memory_space<vmem>>, vector<1x1x16xf32>,
        %add3A_272 = arith.constant 1 : i32
        %add3A_273 = arith.addi %mul3A_177, %add3A_272 : i32
        %get3A_274 = arith.index_cast %rem3A_140 : i32 to index
        %get3A_275 = arith.index_cast %add3A_273 : i32 to index
        %get3A_276 = arith.constant 32 : index
        %get3A_277 = tpu.vector_load %arg11[%get3A_274, %get3A_275, %get3A_276] {strides = array<i32>} : memref<4x80x64xf32, #tpu.memory_space<vmem>>, vector<1x1x16xf32>,
        %get3A_278 = vector.shape_cast %get3A_277 : vector<1x1x16xf32> to vector<16xf32>
        %mul3A_279 = vector.broadcast %squeeze3A_241 : f32 to vector<16xf32>
        %mul3A_280 = arith.mulf %get3A_278, %mul3A_279 : vector<16xf32>
        %swap3A_281 = arith.index_cast %rem3A_140 : i32 to index
        %swap3A_282 = arith.index_cast %add3A_273 : i32 to index
        %swap3A_283 = arith.constant 32 : index
        %swap3A_284 = tpu.vector_load %arg11[%swap3A_281, %swap3A_282, %swap3A_283] {strides = array<i32>} : memref<4x80x64xf32, #tpu.memory_space<vmem>>, vector<1x1x16xf32>,
        %swap3A_285 = vector.shape_cast %swap3A_284 : vector<1x1x16xf32> to vector<16xf32>
        %swap3A_286 = vector.shape_cast %mul3A_280 : vector<16xf32> to vector<1x1x16xf32>
        tpu.vector_store %arg11[%swap3A_281, %swap3A_282, %swap3A_283], %swap3A_286 {strides = array<i32>} : memref<4x80x64xf32, #tpu.memory_space<vmem>>, vector<1x1x16xf32>,
        %add3A_287 = arith.constant 1 : i32
        %add3A_288 = arith.addi %mul3A_177, %add3A_287 : i32
        %get3A_289 = arith.index_cast %rem3A_140 : i32 to index
        %get3A_290 = arith.index_cast %add3A_288 : i32 to index
        %get3A_291 = arith.constant 48 : index
        %get3A_292 = tpu.vector_load %arg11[%get3A_289, %get3A_290, %get3A_291] {strides = array<i32>} : memref<4x80x64xf32, #tpu.memory_space<vmem>>, vector<1x1x16xf32>,
        %get3A_293 = vector.shape_cast %get3A_292 : vector<1x1x16xf32> to vector<16xf32>
        %mul3A_294 = vector.broadcast %squeeze3A_241 : f32 to vector<16xf32>
        %mul3A_295 = arith.mulf %get3A_293, %mul3A_294 : vector<16xf32>
        %swap3A_296 = arith.index_cast %rem3A_140 : i32 to index
        %swap3A_297 = arith.index_cast %add3A_288 : i32 to index
        %swap3A_298 = arith.constant 48 : index
        %swap3A_299 = tpu.vector_load %arg11[%swap3A_296, %swap3A_297, %swap3A_298] {strides = array<i32>} : memref<4x80x64xf32, #tpu.memory_space<vmem>>, vector<1x1x16xf32>,
        %swap3A_300 = vector.shape_cast %swap3A_299 : vector<1x1x16xf32> to vector<16xf32>
        %swap3A_301 = vector.shape_cast %mul3A_295 : vector<16xf32> to vector<1x1x16xf32>
        tpu.vector_store %arg11[%swap3A_296, %swap3A_297, %swap3A_298], %swap3A_301 {strides = array<i32>} : memref<4x80x64xf32, #tpu.memory_space<vmem>>, vector<1x1x16xf32>,
        %slice3A_302 = vector.extract_strided_slice %get3A_180 {offsets = [2], sizes = [1], strides = [1]} : vector<16xf32> to vector<1xf32>
        %squeeze3A_303 = vector.extract %slice3A_302[0] : f32 from vector<1xf32>
        %add3A_304 = arith.constant 2 : i32
        %add3A_305 = arith.addi %mul3A_177, %add3A_304 : i32
        %get3A_306 = arith.index_cast %rem3A_140 : i32 to index
        %get3A_307 = arith.index_cast %add3A_305 : i32 to index
        %get3A_308 = arith.constant 0 : index
        %get3A_309 = tpu.vector_load %arg11[%get3A_306, %get3A_307, %get3A_308] {strides = array<i32>} : memref<4x80x64xf32, #tpu.memory_space<vmem>>, vector<1x1x16xf32>,
        %get3A_310 = vector.shape_cast %get3A_309 : vector<1x1x16xf32> to vector<16xf32>
        %mul3A_311 = vector.broadcast %squeeze3A_303 : f32 to vector<16xf32>
        %mul3A_312 = arith.mulf %get3A_310, %mul3A_311 : vector<16xf32>
        %swap3A_313 = arith.index_cast %rem3A_140 : i32 to index
        %swap3A_314 = arith.index_cast %add3A_305 : i32 to index
        %swap3A_315 = arith.constant 0 : index
        %swap3A_316 = tpu.vector_load %arg11[%swap3A_313, %swap3A_314, %swap3A_315] {strides = array<i32>} : memref<4x80x64xf32, #tpu.memory_space<vmem>>, vector<1x1x16xf32>,
        %swap3A_317 = vector.shape_cast %swap3A_316 : vector<1x1x16xf32> to vector<16xf32>
        %swap3A_318 = vector.shape_cast %mul3A_312 : vector<16xf32> to vector<1x1x16xf32>
        tpu.vector_store %arg11[%swap3A_313, %swap3A_314, %swap3A_315], %swap3A_318 {strides = array<i32>} : memref<4x80x64xf32, #tpu.memory_space<vmem>>, vector<1x1x16xf32>,
        %add3A_319 = arith.constant 2 : i32
        %add3A_320 = arith.addi %mul3A_177, %add3A_319 : i32
        %get3A_321 = arith.index_cast %rem3A_140 : i32 to index
        %get3A_322 = arith.index_cast %add3A_320 : i32 to index
        %get3A_323 = arith.constant 16 : index
        %get3A_324 = tpu.vector_load %arg11[%get3A_321, %get3A_322, %get3A_323] {strides = array<i32>} : memref<4x80x64xf32, #tpu.memory_space<vmem>>, vector<1x1x16xf32>,
        %get3A_325 = vector.shape_cast %get3A_324 : vector<1x1x16xf32> to vector<16xf32>
        %mul3A_326 = vector.broadcast %squeeze3A_303 : f32 to vector<16xf32>
        %mul3A_327 = arith.mulf %get3A_325, %mul3A_326 : vector<16xf32>
        %swap3A_328 = arith.index_cast %rem3A_140 : i32 to index
        %swap3A_329 = arith.index_cast %add3A_320 : i32 to index
        %swap3A_330 = arith.constant 16 : index
        %swap3A_331 = tpu.vector_load %arg11[%swap3A_328, %swap3A_329, %swap3A_330] {strides = array<i32>} : memref<4x80x64xf32, #tpu.memory_space<vmem>>, vector<1x1x16xf32>,
        %swap3A_332 = vector.shape_cast %swap3A_331 : vector<1x1x16xf32> to vector<16xf32>
        %swap3A_333 = vector.shape_cast %mul3A_327 : vector<16xf32> to vector<1x1x16xf32>
        tpu.vector_store %arg11[%swap3A_328, %swap3A_329, %swap3A_330], %swap3A_333 {strides = array<i32>} : memref<4x80x64xf32, #tpu.memory_space<vmem>>, vector<1x1x16xf32>,
        %add3A_334 = arith.constant 2 : i32
        %add3A_335 = arith.addi %mul3A_177, %add3A_334 : i32
        %get3A_336 = arith.index_cast %rem3A_140 : i32 to index
        %get3A_337 = arith.index_cast %add3A_335 : i32 to index
        %get3A_338 = arith.constant 32 : index
        %get3A_339 = tpu.vector_load %arg11[%get3A_336, %get3A_337, %get3A_338] {strides = array<i32>} : memref<4x80x64xf32, #tpu.memory_space<vmem>>, vector<1x1x16xf32>,
        %get3A_340 = vector.shape_cast %get3A_339 : vector<1x1x16xf32> to vector<16xf32>
        %mul3A_341 = vector.broadcast %squeeze3A_303 : f32 to vector<16xf32>
        %mul3A_342 = arith.mulf %get3A_340, %mul3A_341 : vector<16xf32>
        %swap3A_343 = arith.index_cast %rem3A_140 : i32 to index
        %swap3A_344 = arith.index_cast %add3A_335 : i32 to index
        %swap3A_345 = arith.constant 32 : index
        %swap3A_346 = tpu.vector_load %arg11[%swap3A_343, %swap3A_344, %swap3A_345] {strides = array<i32>} : memref<4x80x64xf32, #tpu.memory_space<vmem>>, vector<1x1x16xf32>,
        %swap3A_347 = vector.shape_cast %swap3A_346 : vector<1x1x16xf32> to vector<16xf32>
        %swap3A_348 = vector.shape_cast %mul3A_342 : vector<16xf32> to vector<1x1x16xf32>
        tpu.vector_store %arg11[%swap3A_343, %swap3A_344, %swap3A_345], %swap3A_348 {strides = array<i32>} : memref<4x80x64xf32, #tpu.memory_space<vmem>>, vector<1x1x16xf32>,
        %add3A_349 = arith.constant 2 : i32
        %add3A_350 = arith.addi %mul3A_177, %add3A_349 : i32
        %get3A_351 = arith.index_cast %rem3A_140 : i32 to index
        %get3A_352 = arith.index_cast %add3A_350 : i32 to index
        %get3A_353 = arith.constant 48 : index
        %get3A_354 = tpu.vector_load %arg11[%get3A_351, %get3A_352, %get3A_353] {strides = array<i32>} : memref<4x80x64xf32, #tpu.memory_space<vmem>>, vector<1x1x16xf32>,
        %get3A_355 = vector.shape_cast %get3A_354 : vector<1x1x16xf32> to vector<16xf32>
        %mul3A_356 = vector.broadcast %squeeze3A_303 : f32 to vector<16xf32>
        %mul3A_357 = arith.mulf %get3A_355, %mul3A_356 : vector<16xf32>
        %swap3A_358 = arith.index_cast %rem3A_140 : i32 to index
        %swap3A_359 = arith.index_cast %add3A_350 : i32 to index
        %swap3A_360 = arith.constant 48 : index
        %swap3A_361 = tpu.vector_load %arg11[%swap3A_358, %swap3A_359, %swap3A_360] {strides = array<i32>} : memref<4x80x64xf32, #tpu.memory_space<vmem>>, vector<1x1x16xf32>,
        %swap3A_362 = vector.shape_cast %swap3A_361 : vector<1x1x16xf32> to vector<16xf32>
        %swap3A_363 = vector.shape_cast %mul3A_357 : vector<16xf32> to vector<1x1x16xf32>
        tpu.vector_store %arg11[%swap3A_358, %swap3A_359, %swap3A_360], %swap3A_363 {strides = array<i32>} : memref<4x80x64xf32, #tpu.memory_space<vmem>>, vector<1x1x16xf32>,
        %slice3A_364 = vector.extract_strided_slice %get3A_180 {offsets = [3], sizes = [1], strides = [1]} : vector<16xf32> to vector<1xf32>
        %squeeze3A_365 = vector.extract %slice3A_364[0] : f32 from vector<1xf32>
        %add3A_366 = arith.constant 3 : i32
        %add3A_367 = arith.addi %mul3A_177, %add3A_366 : i32
        %get3A_368 = arith.index_cast %rem3A_140 : i32 to index
        %get3A_369 = arith.index_cast %add3A_367 : i32 to index
        %get3A_370 = arith.constant 0 : index
        %get3A_371 = tpu.vector_load %arg11[%get3A_368, %get3A_369, %get3A_370] {strides = array<i32>} : memref<4x80x64xf32, #tpu.memory_space<vmem>>, vector<1x1x16xf32>,
        %get3A_372 = vector.shape_cast %get3A_371 : vector<1x1x16xf32> to vector<16xf32>
        %mul3A_373 = vector.broadcast %squeeze3A_365 : f32 to vector<16xf32>
        %mul3A_374 = arith.mulf %get3A_372, %mul3A_373 : vector<16xf32>
        %swap3A_375 = arith.index_cast %rem3A_140 : i32 to index
        %swap3A_376 = arith.index_cast %add3A_367 : i32 to index
        %swap3A_377 = arith.constant 0 : index
        %swap3A_378 = tpu.vector_load %arg11[%swap3A_375, %swap3A_376, %swap3A_377] {strides = array<i32>} : memref<4x80x64xf32, #tpu.memory_space<vmem>>, vector<1x1x16xf32>,
        %swap3A_379 = vector.shape_cast %swap3A_378 : vector<1x1x16xf32> to vector<16xf32>
        %swap3A_380 = vector.shape_cast %mul3A_374 : vector<16xf32> to vector<1x1x16xf32>
        tpu.vector_store %arg11[%swap3A_375, %swap3A_376, %swap3A_377], %swap3A_380 {strides = array<i32>} : memref<4x80x64xf32, #tpu.memory_space<vmem>>, vector<1x1x16xf32>,
        %add3A_381 = arith.constant 3 : i32
        %add3A_382 = arith.addi %mul3A_177, %add3A_381 : i32
        %get3A_383 = arith.index_cast %rem3A_140 : i32 to index
        %get3A_384 = arith.index_cast %add3A_382 : i32 to index
        %get3A_385 = arith.constant 16 : index
        %get3A_386 = tpu.vector_load %arg11[%get3A_383, %get3A_384, %get3A_385] {strides = array<i32>} : memref<4x80x64xf32, #tpu.memory_space<vmem>>, vector<1x1x16xf32>,
        %get3A_387 = vector.shape_cast %get3A_386 : vector<1x1x16xf32> to vector<16xf32>
        %mul3A_388 = vector.broadcast %squeeze3A_365 : f32 to vector<16xf32>
        %mul3A_389 = arith.mulf %get3A_387, %mul3A_388 : vector<16xf32>
        %swap3A_390 = arith.index_cast %rem3A_140 : i32 to index
        %swap3A_391 = arith.index_cast %add3A_382 : i32 to index
        %swap3A_392 = arith.constant 16 : index
        %swap3A_393 = tpu.vector_load %arg11[%swap3A_390, %swap3A_391, %swap3A_392] {strides = array<i32>} : memref<4x80x64xf32, #tpu.memory_space<vmem>>, vector<1x1x16xf32>,
        %swap3A_394 = vector.shape_cast %swap3A_393 : vector<1x1x16xf32> to vector<16xf32>
        %swap3A_395 = vector.shape_cast %mul3A_389 : vector<16xf32> to vector<1x1x16xf32>
        tpu.vector_store %arg11[%swap3A_390, %swap3A_391, %swap3A_392], %swap3A_395 {strides = array<i32>} : memref<4x80x64xf32, #tpu.memory_space<vmem>>, vector<1x1x16xf32>,
        %add3A_396 = arith.constant 3 : i32
        %add3A_397 = arith.addi %mul3A_177, %add3A_396 : i32
        %get3A_398 = arith.index_cast %rem3A_140 : i32 to index
        %get3A_399 = arith.index_cast %add3A_397 : i32 to index
        %get3A_400 = arith.constant 32 : index
        %get3A_401 = tpu.vector_load %arg11[%get3A_398, %get3A_399, %get3A_400] {strides = array<i32>} : memref<4x80x64xf32, #tpu.memory_space<vmem>>, vector<1x1x16xf32>,
        %get3A_402 = vector.shape_cast %get3A_401 : vector<1x1x16xf32> to vector<16xf32>
        %mul3A_403 = vector.broadcast %squeeze3A_365 : f32 to vector<16xf32>
        %mul3A_404 = arith.mulf %get3A_402, %mul3A_403 : vector<16xf32>
        %swap3A_405 = arith.index_cast %rem3A_140 : i32 to index
        %swap3A_406 = arith.index_cast %add3A_397 : i32 to index
        %swap3A_407 = arith.constant 32 : index
        %swap3A_408 = tpu.vector_load %arg11[%swap3A_405, %swap3A_406, %swap3A_407] {strides = array<i32>} : memref<4x80x64xf32, #tpu.memory_space<vmem>>, vector<1x1x16xf32>,
        %swap3A_409 = vector.shape_cast %swap3A_408 : vector<1x1x16xf32> to vector<16xf32>
        %swap3A_410 = vector.shape_cast %mul3A_404 : vector<16xf32> to vector<1x1x16xf32>
        tpu.vector_store %arg11[%swap3A_405, %swap3A_406, %swap3A_407], %swap3A_410 {strides = array<i32>} : memref<4x80x64xf32, #tpu.memory_space<vmem>>, vector<1x1x16xf32>,
        %add3A_411 = arith.constant 3 : i32
        %add3A_412 = arith.addi %mul3A_177, %add3A_411 : i32
        %get3A_413 = arith.index_cast %rem3A_140 : i32 to index
        %get3A_414 = arith.index_cast %add3A_412 : i32 to index
        %get3A_415 = arith.constant 48 : index
        %get3A_416 = tpu.vector_load %arg11[%get3A_413, %get3A_414, %get3A_415] {strides = array<i32>} : memref<4x80x64xf32, #tpu.memory_space<vmem>>, vector<1x1x16xf32>,
        %get3A_417 = vector.shape_cast %get3A_416 : vector<1x1x16xf32> to vector<16xf32>
        %mul3A_418 = vector.broadcast %squeeze3A_365 : f32 to vector<16xf32>
        %mul3A_419 = arith.mulf %get3A_417, %mul3A_418 : vector<16xf32>
        %swap3A_420 = arith.index_cast %rem3A_140 : i32 to index
        %swap3A_421 = arith.index_cast %add3A_412 : i32 to index
        %swap3A_422 = arith.constant 48 : index
        %swap3A_423 = tpu.vector_load %arg11[%swap3A_420, %swap3A_421, %swap3A_422] {strides = array<i32>} : memref<4x80x64xf32, #tpu.memory_space<vmem>>, vector<1x1x16xf32>,
        %swap3A_424 = vector.shape_cast %swap3A_423 : vector<1x1x16xf32> to vector<16xf32>
        %swap3A_425 = vector.shape_cast %mul3A_419 : vector<16xf32> to vector<1x1x16xf32>
        tpu.vector_store %arg11[%swap3A_420, %swap3A_421, %swap3A_422], %swap3A_425 {strides = array<i32>} : memref<4x80x64xf32, #tpu.memory_space<vmem>>, vector<1x1x16xf32>,
        %slice3A_426 = vector.extract_strided_slice %get3A_180 {offsets = [4], sizes = [1], strides = [1]} : vector<16xf32> to vector<1xf32>
        %squeeze3A_427 = vector.extract %slice3A_426[0] : f32 from vector<1xf32>
        %add3A_428 = arith.constant 4 : i32
        %add3A_429 = arith.addi %mul3A_177, %add3A_428 : i32
        %get3A_430 = arith.index_cast %rem3A_140 : i32 to index
        %get3A_431 = arith.index_cast %add3A_429 : i32 to index
        %get3A_432 = arith.constant 0 : index
        %get3A_433 = tpu.vector_load %arg11[%get3A_430, %get3A_431, %get3A_432] {strides = array<i32>} : memref<4x80x64xf32, #tpu.memory_space<vmem>>, vector<1x1x16xf32>,
        %get3A_434 = vector.shape_cast %get3A_433 : vector<1x1x16xf32> to vector<16xf32>
        %mul3A_435 = vector.broadcast %squeeze3A_427 : f32 to vector<16xf32>
        %mul3A_436 = arith.mulf %get3A_434, %mul3A_435 : vector<16xf32>
        %swap3A_437 = arith.index_cast %rem3A_140 : i32 to index
        %swap3A_438 = arith.index_cast %add3A_429 : i32 to index
        %swap3A_439 = arith.constant 0 : index
        %swap3A_440 = tpu.vector_load %arg11[%swap3A_437, %swap3A_438, %swap3A_439] {strides = array<i32>} : memref<4x80x64xf32, #tpu.memory_space<vmem>>, vector<1x1x16xf32>,
        %swap3A_441 = vector.shape_cast %swap3A_440 : vector<1x1x16xf32> to vector<16xf32>
        %swap3A_442 = vector.shape_cast %mul3A_436 : vector<16xf32> to vector<1x1x16xf32>
        tpu.vector_store %arg11[%swap3A_437, %swap3A_438, %swap3A_439], %swap3A_442 {strides = array<i32>} : memref<4x80x64xf32, #tpu.memory_space<vmem>>, vector<1x1x16xf32>,
        %add3A_443 = arith.constant 4 : i32
        %add3A_444 = arith.addi %mul3A_177, %add3A_443 : i32
        %get3A_445 = arith.index_cast %rem3A_140 : i32 to index
        %get3A_446 = arith.index_cast %add3A_444 : i32 to index
        %get3A_447 = arith.constant 16 : index
        %get3A_448 = tpu.vector_load %arg11[%get3A_445, %get3A_446, %get3A_447] {strides = array<i32>} : memref<4x80x64xf32, #tpu.memory_space<vmem>>, vector<1x1x16xf32>,
        %get3A_449 = vector.shape_cast %get3A_448 : vector<1x1x16xf32> to vector<16xf32>
        %mul3A_450 = vector.broadcast %squeeze3A_427 : f32 to vector<16xf32>
        %mul3A_451 = arith.mulf %get3A_449, %mul3A_450 : vector<16xf32>
        %swap3A_452 = arith.index_cast %rem3A_140 : i32 to index
        %swap3A_453 = arith.index_cast %add3A_444 : i32 to index
        %swap3A_454 = arith.constant 16 : index
        %swap3A_455 = tpu.vector_load %arg11[%swap3A_452, %swap3A_453, %swap3A_454] {strides = array<i32>} : memref<4x80x64xf32, #tpu.memory_space<vmem>>, vector<1x1x16xf32>,
        %swap3A_456 = vector.shape_cast %swap3A_455 : vector<1x1x16xf32> to vector<16xf32>
        %swap3A_457 = vector.shape_cast %mul3A_451 : vector<16xf32> to vector<1x1x16xf32>
        tpu.vector_store %arg11[%swap3A_452, %swap3A_453, %swap3A_454], %swap3A_457 {strides = array<i32>} : memref<4x80x64xf32, #tpu.memory_space<vmem>>, vector<1x1x16xf32>,
        %add3A_458 = arith.constant 4 : i32
        %add3A_459 = arith.addi %mul3A_177, %add3A_458 : i32
        %get3A_460 = arith.index_cast %rem3A_140 : i32 to index
        %get3A_461 = arith.index_cast %add3A_459 : i32 to index
        %get3A_462 = arith.constant 32 : index
        %get3A_463 = tpu.vector_load %arg11[%get3A_460, %get3A_461, %get3A_462] {strides = array<i32>} : memref<4x80x64xf32, #tpu.memory_space<vmem>>, vector<1x1x16xf32>,
        %get3A_464 = vector.shape_cast %get3A_463 : vector<1x1x16xf32> to vector<16xf32>
        %mul3A_465 = vector.broadcast %squeeze3A_427 : f32 to vector<16xf32>
        %mul3A_466 = arith.mulf %get3A_464, %mul3A_465 : vector<16xf32>
        %swap3A_467 = arith.index_cast %rem3A_140 : i32 to index
        %swap3A_468 = arith.index_cast %add3A_459 : i32 to index
        %swap3A_469 = arith.constant 32 : index
        %swap3A_470 = tpu.vector_load %arg11[%swap3A_467, %swap3A_468, %swap3A_469] {strides = array<i32>} : memref<4x80x64xf32, #tpu.memory_space<vmem>>, vector<1x1x16xf32>,
        %swap3A_471 = vector.shape_cast %swap3A_470 : vector<1x1x16xf32> to vector<16xf32>
        %swap3A_472 = vector.shape_cast %mul3A_466 : vector<16xf32> to vector<1x1x16xf32>
        tpu.vector_store %arg11[%swap3A_467, %swap3A_468, %swap3A_469], %swap3A_472 {strides = array<i32>} : memref<4x80x64xf32, #tpu.memory_space<vmem>>, vector<1x1x16xf32>,
        %add3A_473 = arith.constant 4 : i32
        %add3A_474 = arith.addi %mul3A_177, %add3A_473 : i32
        %get3A_475 = arith.index_cast %rem3A_140 : i32 to index
        %get3A_476 = arith.index_cast %add3A_474 : i32 to index
        %get3A_477 = arith.constant 48 : index
        %get3A_478 = tpu.vector_load %arg11[%get3A_475, %get3A_476, %get3A_477] {strides = array<i32>} : memref<4x80x64xf32, #tpu.memory_space<vmem>>, vector<1x1x16xf32>,
        %get3A_479 = vector.shape_cast %get3A_478 : vector<1x1x16xf32> to vector<16xf32>
        %mul3A_480 = vector.broadcast %squeeze3A_427 : f32 to vector<16xf32>
        %mul3A_481 = arith.mulf %get3A_479, %mul3A_480 : vector<16xf32>
        %swap3A_482 = arith.index_cast %rem3A_140 : i32 to index
        %swap3A_483 = arith.index_cast %add3A_474 : i32 to index
        %swap3A_484 = arith.constant 48 : index
        %swap3A_485 = tpu.vector_load %arg11[%swap3A_482, %swap3A_483, %swap3A_484] {strides = array<i32>} : memref<4x80x64xf32, #tpu.memory_space<vmem>>, vector<1x1x16xf32>,
        %swap3A_486 = vector.shape_cast %swap3A_485 : vector<1x1x16xf32> to vector<16xf32>
        %swap3A_487 = vector.shape_cast %mul3A_481 : vector<16xf32> to vector<1x1x16xf32>
        tpu.vector_store %arg11[%swap3A_482, %swap3A_483, %swap3A_484], %swap3A_487 {strides = array<i32>} : memref<4x80x64xf32, #tpu.memory_space<vmem>>, vector<1x1x16xf32>,
        %slice3A_488 = vector.extract_strided_slice %get3A_180 {offsets = [5], sizes = [1], strides = [1]} : vector<16xf32> to vector<1xf32>
        %squeeze3A_489 = vector.extract %slice3A_488[0] : f32 from vector<1xf32>
        %add3A_490 = arith.constant 5 : i32
        %add3A_491 = arith.addi %mul3A_177, %add3A_490 : i32
        %get3A_492 = arith.index_cast %rem3A_140 : i32 to index
        %get3A_493 = arith.index_cast %add3A_491 : i32 to index
        %get3A_494 = arith.constant 0 : index
        %get3A_495 = tpu.vector_load %arg11[%get3A_492, %get3A_493, %get3A_494] {strides = array<i32>} : memref<4x80x64xf32, #tpu.memory_space<vmem>>, vector<1x1x16xf32>,
        %get3A_496 = vector.shape_cast %get3A_495 : vector<1x1x16xf32> to vector<16xf32>
        %mul3A_497 = vector.broadcast %squeeze3A_489 : f32 to vector<16xf32>
        %mul3A_498 = arith.mulf %get3A_496, %mul3A_497 : vector<16xf32>
        %swap3A_499 = arith.index_cast %rem3A_140 : i32 to index
        %swap3A_500 = arith.index_cast %add3A_491 : i32 to index
        %swap3A_501 = arith.constant 0 : index
        %swap3A_502 = tpu.vector_load %arg11[%swap3A_499, %swap3A_500, %swap3A_501] {strides = array<i32>} : memref<4x80x64xf32, #tpu.memory_space<vmem>>, vector<1x1x16xf32>,
        %swap3A_503 = vector.shape_cast %swap3A_502 : vector<1x1x16xf32> to vector<16xf32>
        %swap3A_504 = vector.shape_cast %mul3A_498 : vector<16xf32> to vector<1x1x16xf32>
        tpu.vector_store %arg11[%swap3A_499, %swap3A_500, %swap3A_501], %swap3A_504 {strides = array<i32>} : memref<4x80x64xf32, #tpu.memory_space<vmem>>, vector<1x1x16xf32>,
        %add3A_505 = arith.constant 5 : i32
        %add3A_506 = arith.addi %mul3A_177, %add3A_505 : i32
        %get3A_507 = arith.index_cast %rem3A_140 : i32 to index
        %get3A_508 = arith.index_cast %add3A_506 : i32 to index
        %get3A_509 = arith.constant 16 : index
        %get3A_510 = tpu.vector_load %arg11[%get3A_507, %get3A_508, %get3A_509] {strides = array<i32>} : memref<4x80x64xf32, #tpu.memory_space<vmem>>, vector<1x1x16xf32>,
        %get3A_511 = vector.shape_cast %get3A_510 : vector<1x1x16xf32> to vector<16xf32>
        %mul3A_512 = vector.broadcast %squeeze3A_489 : f32 to vector<16xf32>
        %mul3A_513 = arith.mulf %get3A_511, %mul3A_512 : vector<16xf32>
        %swap3A_514 = arith.index_cast %rem3A_140 : i32 to index
        %swap3A_515 = arith.index_cast %add3A_506 : i32 to index
        %swap3A_516 = arith.constant 16 : index
        %swap3A_517 = tpu.vector_load %arg11[%swap3A_514, %swap3A_515, %swap3A_516] {strides = array<i32>} : memref<4x80x64xf32, #tpu.memory_space<vmem>>, vector<1x1x16xf32>,
        %swap3A_518 = vector.shape_cast %swap3A_517 : vector<1x1x16xf32> to vector<16xf32>
        %swap3A_519 = vector.shape_cast %mul3A_513 : vector<16xf32> to vector<1x1x16xf32>
        tpu.vector_store %arg11[%swap3A_514, %swap3A_515, %swap3A_516], %swap3A_519 {strides = array<i32>} : memref<4x80x64xf32, #tpu.memory_space<vmem>>, vector<1x1x16xf32>,
        %add3A_520 = arith.constant 5 : i32
        %add3A_521 = arith.addi %mul3A_177, %add3A_520 : i32
        %get3A_522 = arith.index_cast %rem3A_140 : i32 to index
        %get3A_523 = arith.index_cast %add3A_521 : i32 to index
        %get3A_524 = arith.constant 32 : index
        %get3A_525 = tpu.vector_load %arg11[%get3A_522, %get3A_523, %get3A_524] {strides = array<i32>} : memref<4x80x64xf32, #tpu.memory_space<vmem>>, vector<1x1x16xf32>,
        %get3A_526 = vector.shape_cast %get3A_525 : vector<1x1x16xf32> to vector<16xf32>
        %mul3A_527 = vector.broadcast %squeeze3A_489 : f32 to vector<16xf32>
        %mul3A_528 = arith.mulf %get3A_526, %mul3A_527 : vector<16xf32>
        %swap3A_529 = arith.index_cast %rem3A_140 : i32 to index
        %swap3A_530 = arith.index_cast %add3A_521 : i32 to index
        %swap3A_531 = arith.constant 32 : index
        %swap3A_532 = tpu.vector_load %arg11[%swap3A_529, %swap3A_530, %swap3A_531] {strides = array<i32>} : memref<4x80x64xf32, #tpu.memory_space<vmem>>, vector<1x1x16xf32>,
        %swap3A_533 = vector.shape_cast %swap3A_532 : vector<1x1x16xf32> to vector<16xf32>
        %swap3A_534 = vector.shape_cast %mul3A_528 : vector<16xf32> to vector<1x1x16xf32>
        tpu.vector_store %arg11[%swap3A_529, %swap3A_530, %swap3A_531], %swap3A_534 {strides = array<i32>} : memref<4x80x64xf32, #tpu.memory_space<vmem>>, vector<1x1x16xf32>,
        %add3A_535 = arith.constant 5 : i32
        %add3A_536 = arith.addi %mul3A_177, %add3A_535 : i32
        %get3A_537 = arith.index_cast %rem3A_140 : i32 to index
        %get3A_538 = arith.index_cast %add3A_536 : i32 to index
        %get3A_539 = arith.constant 48 : index
        %get3A_540 = tpu.vector_load %arg11[%get3A_537, %get3A_538, %get3A_539] {strides = array<i32>} : memref<4x80x64xf32, #tpu.memory_space<vmem>>, vector<1x1x16xf32>,
        %get3A_541 = vector.shape_cast %get3A_540 : vector<1x1x16xf32> to vector<16xf32>
        %mul3A_542 = vector.broadcast %squeeze3A_489 : f32 to vector<16xf32>
        %mul3A_543 = arith.mulf %get3A_541, %mul3A_542 : vector<16xf32>
        %swap3A_544 = arith.index_cast %rem3A_140 : i32 to index
        %swap3A_545 = arith.index_cast %add3A_536 : i32 to index
        %swap3A_546 = arith.constant 48 : index
        %swap3A_547 = tpu.vector_load %arg11[%swap3A_544, %swap3A_545, %swap3A_546] {strides = array<i32>} : memref<4x80x64xf32, #tpu.memory_space<vmem>>, vector<1x1x16xf32>,
        %swap3A_548 = vector.shape_cast %swap3A_547 : vector<1x1x16xf32> to vector<16xf32>
        %swap3A_549 = vector.shape_cast %mul3A_543 : vector<16xf32> to vector<1x1x16xf32>
        tpu.vector_store %arg11[%swap3A_544, %swap3A_545, %swap3A_546], %swap3A_549 {strides = array<i32>} : memref<4x80x64xf32, #tpu.memory_space<vmem>>, vector<1x1x16xf32>,
        %slice3A_550 = vector.extract_strided_slice %get3A_180 {offsets = [6], sizes = [1], strides = [1]} : vector<16xf32> to vector<1xf32>
        %squeeze3A_551 = vector.extract %slice3A_550[0] : f32 from vector<1xf32>
        %add3A_552 = arith.constant 6 : i32
        %add3A_553 = arith.addi %mul3A_177, %add3A_552 : i32
        %get3A_554 = arith.index_cast %rem3A_140 : i32 to index
        %get3A_555 = arith.index_cast %add3A_553 : i32 to index
        %get3A_556 = arith.constant 0 : index
        %get3A_557 = tpu.vector_load %arg11[%get3A_554, %get3A_555, %get3A_556] {strides = array<i32>} : memref<4x80x64xf32, #tpu.memory_space<vmem>>, vector<1x1x16xf32>,
        %get3A_558 = vector.shape_cast %get3A_557 : vector<1x1x16xf32> to vector<16xf32>
        %mul3A_559 = vector.broadcast %squeeze3A_551 : f32 to vector<16xf32>
        %mul3A_560 = arith.mulf %get3A_558, %mul3A_559 : vector<16xf32>
        %swap3A_561 = arith.index_cast %rem3A_140 : i32 to index
        %swap3A_562 = arith.index_cast %add3A_553 : i32 to index
        %swap3A_563 = arith.constant 0 : index
        %swap3A_564 = tpu.vector_load %arg11[%swap3A_561, %swap3A_562, %swap3A_563] {strides = array<i32>} : memref<4x80x64xf32, #tpu.memory_space<vmem>>, vector<1x1x16xf32>,
        %swap3A_565 = vector.shape_cast %swap3A_564 : vector<1x1x16xf32> to vector<16xf32>
        %swap3A_566 = vector.shape_cast %mul3A_560 : vector<16xf32> to vector<1x1x16xf32>
        tpu.vector_store %arg11[%swap3A_561, %swap3A_562, %swap3A_563], %swap3A_566 {strides = array<i32>} : memref<4x80x64xf32, #tpu.memory_space<vmem>>, vector<1x1x16xf32>,
        %add3A_567 = arith.constant 6 : i32
        %add3A_568 = arith.addi %mul3A_177, %add3A_567 : i32
        %get3A_569 = arith.index_cast %rem3A_140 : i32 to index
        %get3A_570 = arith.index_cast %add3A_568 : i32 to index
        %get3A_571 = arith.constant 16 : index
        %get3A_572 = tpu.vector_load %arg11[%get3A_569, %get3A_570, %get3A_571] {strides = array<i32>} : memref<4x80x64xf32, #tpu.memory_space<vmem>>, vector<1x1x16xf32>,
        %get3A_573 = vector.shape_cast %get3A_572 : vector<1x1x16xf32> to vector<16xf32>
        %mul3A_574 = vector.broadcast %squeeze3A_551 : f32 to vector<16xf32>
        %mul3A_575 = arith.mulf %get3A_573, %mul3A_574 : vector<16xf32>
        %swap3A_576 = arith.index_cast %rem3A_140 : i32 to index
        %swap3A_577 = arith.index_cast %add3A_568 : i32 to index
        %swap3A_578 = arith.constant 16 : index
        %swap3A_579 = tpu.vector_load %arg11[%swap3A_576, %swap3A_577, %swap3A_578] {strides = array<i32>} : memref<4x80x64xf32, #tpu.memory_space<vmem>>, vector<1x1x16xf32>,
        %swap3A_580 = vector.shape_cast %swap3A_579 : vector<1x1x16xf32> to vector<16xf32>
        %swap3A_581 = vector.shape_cast %mul3A_575 : vector<16xf32> to vector<1x1x16xf32>
        tpu.vector_store %arg11[%swap3A_576, %swap3A_577, %swap3A_578], %swap3A_581 {strides = array<i32>} : memref<4x80x64xf32, #tpu.memory_space<vmem>>, vector<1x1x16xf32>,
        %add3A_582 = arith.constant 6 : i32
        %add3A_583 = arith.addi %mul3A_177, %add3A_582 : i32
        %get3A_584 = arith.index_cast %rem3A_140 : i32 to index
        %get3A_585 = arith.index_cast %add3A_583 : i32 to index
        %get3A_586 = arith.constant 32 : index
        %get3A_587 = tpu.vector_load %arg11[%get3A_584, %get3A_585, %get3A_586] {strides = array<i32>} : memref<4x80x64xf32, #tpu.memory_space<vmem>>, vector<1x1x16xf32>,
        %get3A_588 = vector.shape_cast %get3A_587 : vector<1x1x16xf32> to vector<16xf32>
        %mul3A_589 = vector.broadcast %squeeze3A_551 : f32 to vector<16xf32>
        %mul3A_590 = arith.mulf %get3A_588, %mul3A_589 : vector<16xf32>
        %swap3A_591 = arith.index_cast %rem3A_140 : i32 to index
        %swap3A_592 = arith.index_cast %add3A_583 : i32 to index
        %swap3A_593 = arith.constant 32 : index
        %swap3A_594 = tpu.vector_load %arg11[%swap3A_591, %swap3A_592, %swap3A_593] {strides = array<i32>} : memref<4x80x64xf32, #tpu.memory_space<vmem>>, vector<1x1x16xf32>,
        %swap3A_595 = vector.shape_cast %swap3A_594 : vector<1x1x16xf32> to vector<16xf32>
        %swap3A_596 = vector.shape_cast %mul3A_590 : vector<16xf32> to vector<1x1x16xf32>
        tpu.vector_store %arg11[%swap3A_591, %swap3A_592, %swap3A_593], %swap3A_596 {strides = array<i32>} : memref<4x80x64xf32, #tpu.memory_space<vmem>>, vector<1x1x16xf32>,
        %add3A_597 = arith.constant 6 : i32
        %add3A_598 = arith.addi %mul3A_177, %add3A_597 : i32
        %get3A_599 = arith.index_cast %rem3A_140 : i32 to index
        %get3A_600 = arith.index_cast %add3A_598 : i32 to index
        %get3A_601 = arith.constant 48 : index
        %get3A_602 = tpu.vector_load %arg11[%get3A_599, %get3A_600, %get3A_601] {strides = array<i32>} : memref<4x80x64xf32, #tpu.memory_space<vmem>>, vector<1x1x16xf32>,
        %get3A_603 = vector.shape_cast %get3A_602 : vector<1x1x16xf32> to vector<16xf32>
        %mul3A_604 = vector.broadcast %squeeze3A_551 : f32 to vector<16xf32>
        %mul3A_605 = arith.mulf %get3A_603, %mul3A_604 : vector<16xf32>
        %swap3A_606 = arith.index_cast %rem3A_140 : i32 to index
        %swap3A_607 = arith.index_cast %add3A_598 : i32 to index
        %swap3A_608 = arith.constant 48 : index
        %swap3A_609 = tpu.vector_load %arg11[%swap3A_606, %swap3A_607, %swap3A_608] {strides = array<i32>} : memref<4x80x64xf32, #tpu.memory_space<vmem>>, vector<1x1x16xf32>,
        %swap3A_610 = vector.shape_cast %swap3A_609 : vector<1x1x16xf32> to vector<16xf32>
        %swap3A_611 = vector.shape_cast %mul3A_605 : vector<16xf32> to vector<1x1x16xf32>
        tpu.vector_store %arg11[%swap3A_606, %swap3A_607, %swap3A_608], %swap3A_611 {strides = array<i32>} : memref<4x80x64xf32, #tpu.memory_space<vmem>>, vector<1x1x16xf32>,
        %slice3A_612 = vector.extract_strided_slice %get3A_180 {offsets = [7], sizes = [1], strides = [1]} : vector<16xf32> to vector<1xf32>
        %squeeze3A_613 = vector.extract %slice3A_612[0] : f32 from vector<1xf32>
        %add3A_614 = arith.constant 7 : i32
        %add3A_615 = arith.addi %mul3A_177, %add3A_614 : i32
        %get3A_616 = arith.index_cast %rem3A_140 : i32 to index
        %get3A_617 = arith.index_cast %add3A_615 : i32 to index
        %get3A_618 = arith.constant 0 : index
        %get3A_619 = tpu.vector_load %arg11[%get3A_616, %get3A_617, %get3A_618] {strides = array<i32>} : memref<4x80x64xf32, #tpu.memory_space<vmem>>, vector<1x1x16xf32>,
        %get3A_620 = vector.shape_cast %get3A_619 : vector<1x1x16xf32> to vector<16xf32>
        %mul3A_621 = vector.broadcast %squeeze3A_613 : f32 to vector<16xf32>
        %mul3A_622 = arith.mulf %get3A_620, %mul3A_621 : vector<16xf32>
        %swap3A_623 = arith.index_cast %rem3A_140 : i32 to index
        %swap3A_624 = arith.index_cast %add3A_615 : i32 to index
        %swap3A_625 = arith.constant 0 : index
        %swap3A_626 = tpu.vector_load %arg11[%swap3A_623, %swap3A_624, %swap3A_625] {strides = array<i32>} : memref<4x80x64xf32, #tpu.memory_space<vmem>>, vector<1x1x16xf32>,
        %swap3A_627 = vector.shape_cast %swap3A_626 : vector<1x1x16xf32> to vector<16xf32>
        %swap3A_628 = vector.shape_cast %mul3A_622 : vector<16xf32> to vector<1x1x16xf32>
        tpu.vector_store %arg11[%swap3A_623, %swap3A_624, %swap3A_625], %swap3A_628 {strides = array<i32>} : memref<4x80x64xf32, #tpu.memory_space<vmem>>, vector<1x1x16xf32>,
        %add3A_629 = arith.constant 7 : i32
        %add3A_630 = arith.addi %mul3A_177, %add3A_629 : i32
        %get3A_631 = arith.index_cast %rem3A_140 : i32 to index
        %get3A_632 = arith.index_cast %add3A_630 : i32 to index
        %get3A_633 = arith.constant 16 : index
        %get3A_634 = tpu.vector_load %arg11[%get3A_631, %get3A_632, %get3A_633] {strides = array<i32>} : memref<4x80x64xf32, #tpu.memory_space<vmem>>, vector<1x1x16xf32>,
        %get3A_635 = vector.shape_cast %get3A_634 : vector<1x1x16xf32> to vector<16xf32>
        %mul3A_636 = vector.broadcast %squeeze3A_613 : f32 to vector<16xf32>
        %mul3A_637 = arith.mulf %get3A_635, %mul3A_636 : vector<16xf32>
        %swap3A_638 = arith.index_cast %rem3A_140 : i32 to index
        %swap3A_639 = arith.index_cast %add3A_630 : i32 to index
        %swap3A_640 = arith.constant 16 : index
        %swap3A_641 = tpu.vector_load %arg11[%swap3A_638, %swap3A_639, %swap3A_640] {strides = array<i32>} : memref<4x80x64xf32, #tpu.memory_space<vmem>>, vector<1x1x16xf32>,
        %swap3A_642 = vector.shape_cast %swap3A_641 : vector<1x1x16xf32> to vector<16xf32>
        %swap3A_643 = vector.shape_cast %mul3A_637 : vector<16xf32> to vector<1x1x16xf32>
        tpu.vector_store %arg11[%swap3A_638, %swap3A_639, %swap3A_640], %swap3A_643 {strides = array<i32>} : memref<4x80x64xf32, #tpu.memory_space<vmem>>, vector<1x1x16xf32>,
        %add3A_644 = arith.constant 7 : i32
        %add3A_645 = arith.addi %mul3A_177, %add3A_644 : i32
        %get3A_646 = arith.index_cast %rem3A_140 : i32 to index
        %get3A_647 = arith.index_cast %add3A_645 : i32 to index
        %get3A_648 = arith.constant 32 : index
        %get3A_649 = tpu.vector_load %arg11[%get3A_646, %get3A_647, %get3A_648] {strides = array<i32>} : memref<4x80x64xf32, #tpu.memory_space<vmem>>, vector<1x1x16xf32>,
        %get3A_650 = vector.shape_cast %get3A_649 : vector<1x1x16xf32> to vector<16xf32>
        %mul3A_651 = vector.broadcast %squeeze3A_613 : f32 to vector<16xf32>
        %mul3A_652 = arith.mulf %get3A_650, %mul3A_651 : vector<16xf32>
        %swap3A_653 = arith.index_cast %rem3A_140 : i32 to index
        %swap3A_654 = arith.index_cast %add3A_645 : i32 to index
        %swap3A_655 = arith.constant 32 : index
        %swap3A_656 = tpu.vector_load %arg11[%swap3A_653, %swap3A_654, %swap3A_655] {strides = array<i32>} : memref<4x80x64xf32, #tpu.memory_space<vmem>>, vector<1x1x16xf32>,
        %swap3A_657 = vector.shape_cast %swap3A_656 : vector<1x1x16xf32> to vector<16xf32>
        %swap3A_658 = vector.shape_cast %mul3A_652 : vector<16xf32> to vector<1x1x16xf32>
        tpu.vector_store %arg11[%swap3A_653, %swap3A_654, %swap3A_655], %swap3A_658 {strides = array<i32>} : memref<4x80x64xf32, #tpu.memory_space<vmem>>, vector<1x1x16xf32>,
        %add3A_659 = arith.constant 7 : i32
        %add3A_660 = arith.addi %mul3A_177, %add3A_659 : i32
        %get3A_661 = arith.index_cast %rem3A_140 : i32 to index
        %get3A_662 = arith.index_cast %add3A_660 : i32 to index
        %get3A_663 = arith.constant 48 : index
        %get3A_664 = tpu.vector_load %arg11[%get3A_661, %get3A_662, %get3A_663] {strides = array<i32>} : memref<4x80x64xf32, #tpu.memory_space<vmem>>, vector<1x1x16xf32>,
        %get3A_665 = vector.shape_cast %get3A_664 : vector<1x1x16xf32> to vector<16xf32>
        %mul3A_666 = vector.broadcast %squeeze3A_613 : f32 to vector<16xf32>
        %mul3A_667 = arith.mulf %get3A_665, %mul3A_666 : vector<16xf32>
        %swap3A_668 = arith.index_cast %rem3A_140 : i32 to index
        %swap3A_669 = arith.index_cast %add3A_660 : i32 to index
        %swap3A_670 = arith.constant 48 : index
        %swap3A_671 = tpu.vector_load %arg11[%swap3A_668, %swap3A_669, %swap3A_670] {strides = array<i32>} : memref<4x80x64xf32, #tpu.memory_space<vmem>>, vector<1x1x16xf32>,
        %swap3A_672 = vector.shape_cast %swap3A_671 : vector<1x1x16xf32> to vector<16xf32>
        %swap3A_673 = vector.shape_cast %mul3A_667 : vector<16xf32> to vector<1x1x16xf32>
        tpu.vector_store %arg11[%swap3A_668, %swap3A_669, %swap3A_670], %swap3A_673 {strides = array<i32>} : memref<4x80x64xf32, #tpu.memory_space<vmem>>, vector<1x1x16xf32>,
        %slice3A_674 = vector.extract_strided_slice %get3A_180 {offsets = [8], sizes = [1], strides = [1]} : vector<16xf32> to vector<1xf32>
        %squeeze3A_675 = vector.extract %slice3A_674[0] : f32 from vector<1xf32>
        %add3A_676 = arith.constant 8 : i32
        %add3A_677 = arith.addi %mul3A_177, %add3A_676 : i32
        %get3A_678 = arith.index_cast %rem3A_140 : i32 to index
        %get3A_679 = arith.index_cast %add3A_677 : i32 to index
        %get3A_680 = arith.constant 0 : index
        %get3A_681 = tpu.vector_load %arg11[%get3A_678, %get3A_679, %get3A_680] {strides = array<i32>} : memref<4x80x64xf32, #tpu.memory_space<vmem>>, vector<1x1x16xf32>,
        %get3A_682 = vector.shape_cast %get3A_681 : vector<1x1x16xf32> to vector<16xf32>
        %mul3A_683 = vector.broadcast %squeeze3A_675 : f32 to vector<16xf32>
        %mul3A_684 = arith.mulf %get3A_682, %mul3A_683 : vector<16xf32>
        %swap3A_685 = arith.index_cast %rem3A_140 : i32 to index
        %swap3A_686 = arith.index_cast %add3A_677 : i32 to index
        %swap3A_687 = arith.constant 0 : index
        %swap3A_688 = tpu.vector_load %arg11[%swap3A_685, %swap3A_686, %swap3A_687] {strides = array<i32>} : memref<4x80x64xf32, #tpu.memory_space<vmem>>, vector<1x1x16xf32>,
        %swap3A_689 = vector.shape_cast %swap3A_688 : vector<1x1x16xf32> to vector<16xf32>
        %swap3A_690 = vector.shape_cast %mul3A_684 : vector<16xf32> to vector<1x1x16xf32>
        tpu.vector_store %arg11[%swap3A_685, %swap3A_686, %swap3A_687], %swap3A_690 {strides = array<i32>} : memref<4x80x64xf32, #tpu.memory_space<vmem>>, vector<1x1x16xf32>,
        %add3A_691 = arith.constant 8 : i32
        %add3A_692 = arith.addi %mul3A_177, %add3A_691 : i32
        %get3A_693 = arith.index_cast %rem3A_140 : i32 to index
        %get3A_694 = arith.index_cast %add3A_692 : i32 to index
        %get3A_695 = arith.constant 16 : index
        %get3A_696 = tpu.vector_load %arg11[%get3A_693, %get3A_694, %get3A_695] {strides = array<i32>} : memref<4x80x64xf32, #tpu.memory_space<vmem>>, vector<1x1x16xf32>,
        %get3A_697 = vector.shape_cast %get3A_696 : vector<1x1x16xf32> to vector<16xf32>
        %mul3A_698 = vector.broadcast %squeeze3A_675 : f32 to vector<16xf32>
        %mul3A_699 = arith.mulf %get3A_697, %mul3A_698 : vector<16xf32>
        %swap3A_700 = arith.index_cast %rem3A_140 : i32 to index
        %swap3A_701 = arith.index_cast %add3A_692 : i32 to index
        %swap3A_702 = arith.constant 16 : index
        %swap3A_703 = tpu.vector_load %arg11[%swap3A_700, %swap3A_701, %swap3A_702] {strides = array<i32>} : memref<4x80x64xf32, #tpu.memory_space<vmem>>, vector<1x1x16xf32>,
        %swap3A_704 = vector.shape_cast %swap3A_703 : vector<1x1x16xf32> to vector<16xf32>
        %swap3A_705 = vector.shape_cast %mul3A_699 : vector<16xf32> to vector<1x1x16xf32>
        tpu.vector_store %arg11[%swap3A_700, %swap3A_701, %swap3A_702], %swap3A_705 {strides = array<i32>} : memref<4x80x64xf32, #tpu.memory_space<vmem>>, vector<1x1x16xf32>,
        %add3A_706 = arith.constant 8 : i32
        %add3A_707 = arith.addi %mul3A_177, %add3A_706 : i32
        %get3A_708 = arith.index_cast %rem3A_140 : i32 to index
        %get3A_709 = arith.index_cast %add3A_707 : i32 to index
        %get3A_710 = arith.constant 32 : index
        %get3A_711 = tpu.vector_load %arg11[%get3A_708, %get3A_709, %get3A_710] {strides = array<i32>} : memref<4x80x64xf32, #tpu.memory_space<vmem>>, vector<1x1x16xf32>,
        %get3A_712 = vector.shape_cast %get3A_711 : vector<1x1x16xf32> to vector<16xf32>
        %mul3A_713 = vector.broadcast %squeeze3A_675 : f32 to vector<16xf32>
        %mul3A_714 = arith.mulf %get3A_712, %mul3A_713 : vector<16xf32>
        %swap3A_715 = arith.index_cast %rem3A_140 : i32 to index
        %swap3A_716 = arith.index_cast %add3A_707 : i32 to index
        %swap3A_717 = arith.constant 32 : index
        %swap3A_718 = tpu.vector_load %arg11[%swap3A_715, %swap3A_716, %swap3A_717] {strides = array<i32>} : memref<4x80x64xf32, #tpu.memory_space<vmem>>, vector<1x1x16xf32>,
        %swap3A_719 = vector.shape_cast %swap3A_718 : vector<1x1x16xf32> to vector<16xf32>
        %swap3A_720 = vector.shape_cast %mul3A_714 : vector<16xf32> to vector<1x1x16xf32>
        tpu.vector_store %arg11[%swap3A_715, %swap3A_716, %swap3A_717], %swap3A_720 {strides = array<i32>} : memref<4x80x64xf32, #tpu.memory_space<vmem>>, vector<1x1x16xf32>,
        %add3A_721 = arith.constant 8 : i32
        %add3A_722 = arith.addi %mul3A_177, %add3A_721 : i32
        %get3A_723 = arith.index_cast %rem3A_140 : i32 to index
        %get3A_724 = arith.index_cast %add3A_722 : i32 to index
        %get3A_725 = arith.constant 48 : index
        %get3A_726 = tpu.vector_load %arg11[%get3A_723, %get3A_724, %get3A_725] {strides = array<i32>} : memref<4x80x64xf32, #tpu.memory_space<vmem>>, vector<1x1x16xf32>,
        %get3A_727 = vector.shape_cast %get3A_726 : vector<1x1x16xf32> to vector<16xf32>
        %mul3A_728 = vector.broadcast %squeeze3A_675 : f32 to vector<16xf32>
        %mul3A_729 = arith.mulf %get3A_727, %mul3A_728 : vector<16xf32>
        %swap3A_730 = arith.index_cast %rem3A_140 : i32 to index
        %swap3A_731 = arith.index_cast %add3A_722 : i32 to index
        %swap3A_732 = arith.constant 48 : index
        %swap3A_733 = tpu.vector_load %arg11[%swap3A_730, %swap3A_731, %swap3A_732] {strides = array<i32>} : memref<4x80x64xf32, #tpu.memory_space<vmem>>, vector<1x1x16xf32>,
        %swap3A_734 = vector.shape_cast %swap3A_733 : vector<1x1x16xf32> to vector<16xf32>
        %swap3A_735 = vector.shape_cast %mul3A_729 : vector<16xf32> to vector<1x1x16xf32>
        tpu.vector_store %arg11[%swap3A_730, %swap3A_731, %swap3A_732], %swap3A_735 {strides = array<i32>} : memref<4x80x64xf32, #tpu.memory_space<vmem>>, vector<1x1x16xf32>,
        %slice3A_736 = vector.extract_strided_slice %get3A_180 {offsets = [9], sizes = [1], strides = [1]} : vector<16xf32> to vector<1xf32>
        %squeeze3A_737 = vector.extract %slice3A_736[0] : f32 from vector<1xf32>
        %add3A_738 = arith.constant 9 : i32
        %add3A_739 = arith.addi %mul3A_177, %add3A_738 : i32
        %get3A_740 = arith.index_cast %rem3A_140 : i32 to index
        %get3A_741 = arith.index_cast %add3A_739 : i32 to index
        %get3A_742 = arith.constant 0 : index
        %get3A_743 = tpu.vector_load %arg11[%get3A_740, %get3A_741, %get3A_742] {strides = array<i32>} : memref<4x80x64xf32, #tpu.memory_space<vmem>>, vector<1x1x16xf32>,
        %get3A_744 = vector.shape_cast %get3A_743 : vector<1x1x16xf32> to vector<16xf32>
        %mul3A_745 = vector.broadcast %squeeze3A_737 : f32 to vector<16xf32>
        %mul3A_746 = arith.mulf %get3A_744, %mul3A_745 : vector<16xf32>
        %swap3A_747 = arith.index_cast %rem3A_140 : i32 to index
        %swap3A_748 = arith.index_cast %add3A_739 : i32 to index
        %swap3A_749 = arith.constant 0 : index
        %swap3A_750 = tpu.vector_load %arg11[%swap3A_747, %swap3A_748, %swap3A_749] {strides = array<i32>} : memref<4x80x64xf32, #tpu.memory_space<vmem>>, vector<1x1x16xf32>,
        %swap3A_751 = vector.shape_cast %swap3A_750 : vector<1x1x16xf32> to vector<16xf32>
        %swap3A_752 = vector.shape_cast %mul3A_746 : vector<16xf32> to vector<1x1x16xf32>
        tpu.vector_store %arg11[%swap3A_747, %swap3A_748, %swap3A_749], %swap3A_752 {strides = array<i32>} : memref<4x80x64xf32, #tpu.memory_space<vmem>>, vector<1x1x16xf32>,
        %add3A_753 = arith.constant 9 : i32
        %add3A_754 = arith.addi %mul3A_177, %add3A_753 : i32
        %get3A_755 = arith.index_cast %rem3A_140 : i32 to index
        %get3A_756 = arith.index_cast %add3A_754 : i32 to index
        %get3A_757 = arith.constant 16 : index
        %get3A_758 = tpu.vector_load %arg11[%get3A_755, %get3A_756, %get3A_757] {strides = array<i32>} : memref<4x80x64xf32, #tpu.memory_space<vmem>>, vector<1x1x16xf32>,
        %get3A_759 = vector.shape_cast %get3A_758 : vector<1x1x16xf32> to vector<16xf32>
        %mul3A_760 = vector.broadcast %squeeze3A_737 : f32 to vector<16xf32>
        %mul3A_761 = arith.mulf %get3A_759, %mul3A_760 : vector<16xf32>
        %swap3A_762 = arith.index_cast %rem3A_140 : i32 to index
        %swap3A_763 = arith.index_cast %add3A_754 : i32 to index
        %swap3A_764 = arith.constant 16 : index
        %swap3A_765 = tpu.vector_load %arg11[%swap3A_762, %swap3A_763, %swap3A_764] {strides = array<i32>} : memref<4x80x64xf32, #tpu.memory_space<vmem>>, vector<1x1x16xf32>,
        %swap3A_766 = vector.shape_cast %swap3A_765 : vector<1x1x16xf32> to vector<16xf32>
        %swap3A_767 = vector.shape_cast %mul3A_761 : vector<16xf32> to vector<1x1x16xf32>
        tpu.vector_store %arg11[%swap3A_762, %swap3A_763, %swap3A_764], %swap3A_767 {strides = array<i32>} : memref<4x80x64xf32, #tpu.memory_space<vmem>>, vector<1x1x16xf32>,
        %add3A_768 = arith.constant 9 : i32
        %add3A_769 = arith.addi %mul3A_177, %add3A_768 : i32
        %get3A_770 = arith.index_cast %rem3A_140 : i32 to index
        %get3A_771 = arith.index_cast %add3A_769 : i32 to index
        %get3A_772 = arith.constant 32 : index
        %get3A_773 = tpu.vector_load %arg11[%get3A_770, %get3A_771, %get3A_772] {strides = array<i32>} : memref<4x80x64xf32, #tpu.memory_space<vmem>>, vector<1x1x16xf32>,
        %get3A_774 = vector.shape_cast %get3A_773 : vector<1x1x16xf32> to vector<16xf32>
        %mul3A_775 = vector.broadcast %squeeze3A_737 : f32 to vector<16xf32>
        %mul3A_776 = arith.mulf %get3A_774, %mul3A_775 : vector<16xf32>
        %swap3A_777 = arith.index_cast %rem3A_140 : i32 to index
        %swap3A_778 = arith.index_cast %add3A_769 : i32 to index
        %swap3A_779 = arith.constant 32 : index
        %swap3A_780 = tpu.vector_load %arg11[%swap3A_777, %swap3A_778, %swap3A_779] {strides = array<i32>} : memref<4x80x64xf32, #tpu.memory_space<vmem>>, vector<1x1x16xf32>,
        %swap3A_781 = vector.shape_cast %swap3A_780 : vector<1x1x16xf32> to vector<16xf32>
        %swap3A_782 = vector.shape_cast %mul3A_776 : vector<16xf32> to vector<1x1x16xf32>
        tpu.vector_store %arg11[%swap3A_777, %swap3A_778, %swap3A_779], %swap3A_782 {strides = array<i32>} : memref<4x80x64xf32, #tpu.memory_space<vmem>>, vector<1x1x16xf32>,
        %add3A_783 = arith.constant 9 : i32
        %add3A_784 = arith.addi %mul3A_177, %add3A_783 : i32
        %get3A_785 = arith.index_cast %rem3A_140 : i32 to index
        %get3A_786 = arith.index_cast %add3A_784 : i32 to index
        %get3A_787 = arith.constant 48 : index
        %get3A_788 = tpu.vector_load %arg11[%get3A_785, %get3A_786, %get3A_787] {strides = array<i32>} : memref<4x80x64xf32, #tpu.memory_space<vmem>>, vector<1x1x16xf32>,
        %get3A_789 = vector.shape_cast %get3A_788 : vector<1x1x16xf32> to vector<16xf32>
        %mul3A_790 = vector.broadcast %squeeze3A_737 : f32 to vector<16xf32>
        %mul3A_791 = arith.mulf %get3A_789, %mul3A_790 : vector<16xf32>
        %swap3A_792 = arith.index_cast %rem3A_140 : i32 to index
        %swap3A_793 = arith.index_cast %add3A_784 : i32 to index
        %swap3A_794 = arith.constant 48 : index
        %swap3A_795 = tpu.vector_load %arg11[%swap3A_792, %swap3A_793, %swap3A_794] {strides = array<i32>} : memref<4x80x64xf32, #tpu.memory_space<vmem>>, vector<1x1x16xf32>,
        %swap3A_796 = vector.shape_cast %swap3A_795 : vector<1x1x16xf32> to vector<16xf32>
        %swap3A_797 = vector.shape_cast %mul3A_791 : vector<16xf32> to vector<1x1x16xf32>
        tpu.vector_store %arg11[%swap3A_792, %swap3A_793, %swap3A_794], %swap3A_797 {strides = array<i32>} : memref<4x80x64xf32, #tpu.memory_space<vmem>>, vector<1x1x16xf32>,
        %slice3A_798 = vector.extract_strided_slice %get3A_180 {offsets = [10], sizes = [1], strides = [1]} : vector<16xf32> to vector<1xf32>
        %squeeze3A_799 = vector.extract %slice3A_798[0] : f32 from vector<1xf32>
        %add3A_800 = arith.constant 10 : i32
        %add3A_801 = arith.addi %mul3A_177, %add3A_800 : i32
        %get3A_802 = arith.index_cast %rem3A_140 : i32 to index
        %get3A_803 = arith.index_cast %add3A_801 : i32 to index
        %get3A_804 = arith.constant 0 : index
        %get3A_805 = tpu.vector_load %arg11[%get3A_802, %get3A_803, %get3A_804] {strides = array<i32>} : memref<4x80x64xf32, #tpu.memory_space<vmem>>, vector<1x1x16xf32>,
        %get3A_806 = vector.shape_cast %get3A_805 : vector<1x1x16xf32> to vector<16xf32>
        %mul3A_807 = vector.broadcast %squeeze3A_799 : f32 to vector<16xf32>
        %mul3A_808 = arith.mulf %get3A_806, %mul3A_807 : vector<16xf32>
        %swap3A_809 = arith.index_cast %rem3A_140 : i32 to index
        %swap3A_810 = arith.index_cast %add3A_801 : i32 to index
        %swap3A_811 = arith.constant 0 : index
        %swap3A_812 = tpu.vector_load %arg11[%swap3A_809, %swap3A_810, %swap3A_811] {strides = array<i32>} : memref<4x80x64xf32, #tpu.memory_space<vmem>>, vector<1x1x16xf32>,
        %swap3A_813 = vector.shape_cast %swap3A_812 : vector<1x1x16xf32> to vector<16xf32>
        %swap3A_814 = vector.shape_cast %mul3A_808 : vector<16xf32> to vector<1x1x16xf32>
        tpu.vector_store %arg11[%swap3A_809, %swap3A_810, %swap3A_811], %swap3A_814 {strides = array<i32>} : memref<4x80x64xf32, #tpu.memory_space<vmem>>, vector<1x1x16xf32>,
        %add3A_815 = arith.constant 10 : i32
        %add3A_816 = arith.addi %mul3A_177, %add3A_815 : i32
        %get3A_817 = arith.index_cast %rem3A_140 : i32 to index
        %get3A_818 = arith.index_cast %add3A_816 : i32 to index
        %get3A_819 = arith.constant 16 : index
        %get3A_820 = tpu.vector_load %arg11[%get3A_817, %get3A_818, %get3A_819] {strides = array<i32>} : memref<4x80x64xf32, #tpu.memory_space<vmem>>, vector<1x1x16xf32>,
        %get3A_821 = vector.shape_cast %get3A_820 : vector<1x1x16xf32> to vector<16xf32>
        %mul3A_822 = vector.broadcast %squeeze3A_799 : f32 to vector<16xf32>
        %mul3A_823 = arith.mulf %get3A_821, %mul3A_822 : vector<16xf32>
        %swap3A_824 = arith.index_cast %rem3A_140 : i32 to index
        %swap3A_825 = arith.index_cast %add3A_816 : i32 to index
        %swap3A_826 = arith.constant 16 : index
        %swap3A_827 = tpu.vector_load %arg11[%swap3A_824, %swap3A_825, %swap3A_826] {strides = array<i32>} : memref<4x80x64xf32, #tpu.memory_space<vmem>>, vector<1x1x16xf32>,
        %swap3A_828 = vector.shape_cast %swap3A_827 : vector<1x1x16xf32> to vector<16xf32>
        %swap3A_829 = vector.shape_cast %mul3A_823 : vector<16xf32> to vector<1x1x16xf32>
        tpu.vector_store %arg11[%swap3A_824, %swap3A_825, %swap3A_826], %swap3A_829 {strides = array<i32>} : memref<4x80x64xf32, #tpu.memory_space<vmem>>, vector<1x1x16xf32>,
        %add3A_830 = arith.constant 10 : i32
        %add3A_831 = arith.addi %mul3A_177, %add3A_830 : i32
        %get3A_832 = arith.index_cast %rem3A_140 : i32 to index
        %get3A_833 = arith.index_cast %add3A_831 : i32 to index
        %get3A_834 = arith.constant 32 : index
        %get3A_835 = tpu.vector_load %arg11[%get3A_832, %get3A_833, %get3A_834] {strides = array<i32>} : memref<4x80x64xf32, #tpu.memory_space<vmem>>, vector<1x1x16xf32>,
        %get3A_836 = vector.shape_cast %get3A_835 : vector<1x1x16xf32> to vector<16xf32>
        %mul3A_837 = vector.broadcast %squeeze3A_799 : f32 to vector<16xf32>
        %mul3A_838 = arith.mulf %get3A_836, %mul3A_837 : vector<16xf32>
        %swap3A_839 = arith.index_cast %rem3A_140 : i32 to index
        %swap3A_840 = arith.index_cast %add3A_831 : i32 to index
        %swap3A_841 = arith.constant 32 : index
        %swap3A_842 = tpu.vector_load %arg11[%swap3A_839, %swap3A_840, %swap3A_841] {strides = array<i32>} : memref<4x80x64xf32, #tpu.memory_space<vmem>>, vector<1x1x16xf32>,
        %swap3A_843 = vector.shape_cast %swap3A_842 : vector<1x1x16xf32> to vector<16xf32>
        %swap3A_844 = vector.shape_cast %mul3A_838 : vector<16xf32> to vector<1x1x16xf32>
        tpu.vector_store %arg11[%swap3A_839, %swap3A_840, %swap3A_841], %swap3A_844 {strides = array<i32>} : memref<4x80x64xf32, #tpu.memory_space<vmem>>, vector<1x1x16xf32>,
        %add3A_845 = arith.constant 10 : i32
        %add3A_846 = arith.addi %mul3A_177, %add3A_845 : i32
        %get3A_847 = arith.index_cast %rem3A_140 : i32 to index
        %get3A_848 = arith.index_cast %add3A_846 : i32 to index
        %get3A_849 = arith.constant 48 : index
        %get3A_850 = tpu.vector_load %arg11[%get3A_847, %get3A_848, %get3A_849] {strides = array<i32>} : memref<4x80x64xf32, #tpu.memory_space<vmem>>, vector<1x1x16xf32>,
        %get3A_851 = vector.shape_cast %get3A_850 : vector<1x1x16xf32> to vector<16xf32>
        %mul3A_852 = vector.broadcast %squeeze3A_799 : f32 to vector<16xf32>
        %mul3A_853 = arith.mulf %get3A_851, %mul3A_852 : vector<16xf32>
        %swap3A_854 = arith.index_cast %rem3A_140 : i32 to index
        %swap3A_855 = arith.index_cast %add3A_846 : i32 to index
        %swap3A_856 = arith.constant 48 : index
        %swap3A_857 = tpu.vector_load %arg11[%swap3A_854, %swap3A_855, %swap3A_856] {strides = array<i32>} : memref<4x80x64xf32, #tpu.memory_space<vmem>>, vector<1x1x16xf32>,
        %swap3A_858 = vector.shape_cast %swap3A_857 : vector<1x1x16xf32> to vector<16xf32>
        %swap3A_859 = vector.shape_cast %mul3A_853 : vector<16xf32> to vector<1x1x16xf32>
        tpu.vector_store %arg11[%swap3A_854, %swap3A_855, %swap3A_856], %swap3A_859 {strides = array<i32>} : memref<4x80x64xf32, #tpu.memory_space<vmem>>, vector<1x1x16xf32>,
        %slice3A_860 = vector.extract_strided_slice %get3A_180 {offsets = [11], sizes = [1], strides = [1]} : vector<16xf32> to vector<1xf32>
        %squeeze3A_861 = vector.extract %slice3A_860[0] : f32 from vector<1xf32>
        %add3A_862 = arith.constant 11 : i32
        %add3A_863 = arith.addi %mul3A_177, %add3A_862 : i32
        %get3A_864 = arith.index_cast %rem3A_140 : i32 to index
        %get3A_865 = arith.index_cast %add3A_863 : i32 to index
        %get3A_866 = arith.constant 0 : index
        %get3A_867 = tpu.vector_load %arg11[%get3A_864, %get3A_865, %get3A_866] {strides = array<i32>} : memref<4x80x64xf32, #tpu.memory_space<vmem>>, vector<1x1x16xf32>,
        %get3A_868 = vector.shape_cast %get3A_867 : vector<1x1x16xf32> to vector<16xf32>
        %mul3A_869 = vector.broadcast %squeeze3A_861 : f32 to vector<16xf32>
        %mul3A_870 = arith.mulf %get3A_868, %mul3A_869 : vector<16xf32>
        %swap3A_871 = arith.index_cast %rem3A_140 : i32 to index
        %swap3A_872 = arith.index_cast %add3A_863 : i32 to index
        %swap3A_873 = arith.constant 0 : index
        %swap3A_874 = tpu.vector_load %arg11[%swap3A_871, %swap3A_872, %swap3A_873] {strides = array<i32>} : memref<4x80x64xf32, #tpu.memory_space<vmem>>, vector<1x1x16xf32>,
        %swap3A_875 = vector.shape_cast %swap3A_874 : vector<1x1x16xf32> to vector<16xf32>
        %swap3A_876 = vector.shape_cast %mul3A_870 : vector<16xf32> to vector<1x1x16xf32>
        tpu.vector_store %arg11[%swap3A_871, %swap3A_872, %swap3A_873], %swap3A_876 {strides = array<i32>} : memref<4x80x64xf32, #tpu.memory_space<vmem>>, vector<1x1x16xf32>,
        %add3A_877 = arith.constant 11 : i32
        %add3A_878 = arith.addi %mul3A_177, %add3A_877 : i32
        %get3A_879 = arith.index_cast %rem3A_140 : i32 to index
        %get3A_880 = arith.index_cast %add3A_878 : i32 to index
        %get3A_881 = arith.constant 16 : index
        %get3A_882 = tpu.vector_load %arg11[%get3A_879, %get3A_880, %get3A_881] {strides = array<i32>} : memref<4x80x64xf32, #tpu.memory_space<vmem>>, vector<1x1x16xf32>,
        %get3A_883 = vector.shape_cast %get3A_882 : vector<1x1x16xf32> to vector<16xf32>
        %mul3A_884 = vector.broadcast %squeeze3A_861 : f32 to vector<16xf32>
        %mul3A_885 = arith.mulf %get3A_883, %mul3A_884 : vector<16xf32>
        %swap3A_886 = arith.index_cast %rem3A_140 : i32 to index
        %swap3A_887 = arith.index_cast %add3A_878 : i32 to index
        %swap3A_888 = arith.constant 16 : index
        %swap3A_889 = tpu.vector_load %arg11[%swap3A_886, %swap3A_887, %swap3A_888] {strides = array<i32>} : memref<4x80x64xf32, #tpu.memory_space<vmem>>, vector<1x1x16xf32>,
        %swap3A_890 = vector.shape_cast %swap3A_889 : vector<1x1x16xf32> to vector<16xf32>
        %swap3A_891 = vector.shape_cast %mul3A_885 : vector<16xf32> to vector<1x1x16xf32>
        tpu.vector_store %arg11[%swap3A_886, %swap3A_887, %swap3A_888], %swap3A_891 {strides = array<i32>} : memref<4x80x64xf32, #tpu.memory_space<vmem>>, vector<1x1x16xf32>,
        %add3A_892 = arith.constant 11 : i32
        %add3A_893 = arith.addi %mul3A_177, %add3A_892 : i32
        %get3A_894 = arith.index_cast %rem3A_140 : i32 to index
        %get3A_895 = arith.index_cast %add3A_893 : i32 to index
        %get3A_896 = arith.constant 32 : index
        %get3A_897 = tpu.vector_load %arg11[%get3A_894, %get3A_895, %get3A_896] {strides = array<i32>} : memref<4x80x64xf32, #tpu.memory_space<vmem>>, vector<1x1x16xf32>,
        %get3A_898 = vector.shape_cast %get3A_897 : vector<1x1x16xf32> to vector<16xf32>
        %mul3A_899 = vector.broadcast %squeeze3A_861 : f32 to vector<16xf32>
        %mul3A_900 = arith.mulf %get3A_898, %mul3A_899 : vector<16xf32>
        %swap3A_901 = arith.index_cast %rem3A_140 : i32 to index
        %swap3A_902 = arith.index_cast %add3A_893 : i32 to index
        %swap3A_903 = arith.constant 32 : index
        %swap3A_904 = tpu.vector_load %arg11[%swap3A_901, %swap3A_902, %swap3A_903] {strides = array<i32>} : memref<4x80x64xf32, #tpu.memory_space<vmem>>, vector<1x1x16xf32>,
        %swap3A_905 = vector.shape_cast %swap3A_904 : vector<1x1x16xf32> to vector<16xf32>
        %swap3A_906 = vector.shape_cast %mul3A_900 : vector<16xf32> to vector<1x1x16xf32>
        tpu.vector_store %arg11[%swap3A_901, %swap3A_902, %swap3A_903], %swap3A_906 {strides = array<i32>} : memref<4x80x64xf32, #tpu.memory_space<vmem>>, vector<1x1x16xf32>,
        %add3A_907 = arith.constant 11 : i32
        %add3A_908 = arith.addi %mul3A_177, %add3A_907 : i32
        %get3A_909 = arith.index_cast %rem3A_140 : i32 to index
        %get3A_910 = arith.index_cast %add3A_908 : i32 to index
        %get3A_911 = arith.constant 48 : index
        %get3A_912 = tpu.vector_load %arg11[%get3A_909, %get3A_910, %get3A_911] {strides = array<i32>} : memref<4x80x64xf32, #tpu.memory_space<vmem>>, vector<1x1x16xf32>,
        %get3A_913 = vector.shape_cast %get3A_912 : vector<1x1x16xf32> to vector<16xf32>
        %mul3A_914 = vector.broadcast %squeeze3A_861 : f32 to vector<16xf32>
        %mul3A_915 = arith.mulf %get3A_913, %mul3A_914 : vector<16xf32>
        %swap3A_916 = arith.index_cast %rem3A_140 : i32 to index
        %swap3A_917 = arith.index_cast %add3A_908 : i32 to index
        %swap3A_918 = arith.constant 48 : index
        %swap3A_919 = tpu.vector_load %arg11[%swap3A_916, %swap3A_917, %swap3A_918] {strides = array<i32>} : memref<4x80x64xf32, #tpu.memory_space<vmem>>, vector<1x1x16xf32>,
        %swap3A_920 = vector.shape_cast %swap3A_919 : vector<1x1x16xf32> to vector<16xf32>
        %swap3A_921 = vector.shape_cast %mul3A_915 : vector<16xf32> to vector<1x1x16xf32>
        tpu.vector_store %arg11[%swap3A_916, %swap3A_917, %swap3A_918], %swap3A_921 {strides = array<i32>} : memref<4x80x64xf32, #tpu.memory_space<vmem>>, vector<1x1x16xf32>,
        %slice3A_922 = vector.extract_strided_slice %get3A_180 {offsets = [12], sizes = [1], strides = [1]} : vector<16xf32> to vector<1xf32>
        %squeeze3A_923 = vector.extract %slice3A_922[0] : f32 from vector<1xf32>
        %add3A_924 = arith.constant 12 : i32
        %add3A_925 = arith.addi %mul3A_177, %add3A_924 : i32
        %get3A_926 = arith.index_cast %rem3A_140 : i32 to index
        %get3A_927 = arith.index_cast %add3A_925 : i32 to index
        %get3A_928 = arith.constant 0 : index
        %get3A_929 = tpu.vector_load %arg11[%get3A_926, %get3A_927, %get3A_928] {strides = array<i32>} : memref<4x80x64xf32, #tpu.memory_space<vmem>>, vector<1x1x16xf32>,
        %get3A_930 = vector.shape_cast %get3A_929 : vector<1x1x16xf32> to vector<16xf32>
        %mul3A_931 = vector.broadcast %squeeze3A_923 : f32 to vector<16xf32>
        %mul3A_932 = arith.mulf %get3A_930, %mul3A_931 : vector<16xf32>
        %swap3A_933 = arith.index_cast %rem3A_140 : i32 to index
        %swap3A_934 = arith.index_cast %add3A_925 : i32 to index
        %swap3A_935 = arith.constant 0 : index
        %swap3A_936 = tpu.vector_load %arg11[%swap3A_933, %swap3A_934, %swap3A_935] {strides = array<i32>} : memref<4x80x64xf32, #tpu.memory_space<vmem>>, vector<1x1x16xf32>,
        %swap3A_937 = vector.shape_cast %swap3A_936 : vector<1x1x16xf32> to vector<16xf32>
        %swap3A_938 = vector.shape_cast %mul3A_932 : vector<16xf32> to vector<1x1x16xf32>
        tpu.vector_store %arg11[%swap3A_933, %swap3A_934, %swap3A_935], %swap3A_938 {strides = array<i32>} : memref<4x80x64xf32, #tpu.memory_space<vmem>>, vector<1x1x16xf32>,
        %add3A_939 = arith.constant 12 : i32
        %add3A_940 = arith.addi %mul3A_177, %add3A_939 : i32
        %get3A_941 = arith.index_cast %rem3A_140 : i32 to index
        %get3A_942 = arith.index_cast %add3A_940 : i32 to index
        %get3A_943 = arith.constant 16 : index
        %get3A_944 = tpu.vector_load %arg11[%get3A_941, %get3A_942, %get3A_943] {strides = array<i32>} : memref<4x80x64xf32, #tpu.memory_space<vmem>>, vector<1x1x16xf32>,
        %get3A_945 = vector.shape_cast %get3A_944 : vector<1x1x16xf32> to vector<16xf32>
        %mul3A_946 = vector.broadcast %squeeze3A_923 : f32 to vector<16xf32>
        %mul3A_947 = arith.mulf %get3A_945, %mul3A_946 : vector<16xf32>
        %swap3A_948 = arith.index_cast %rem3A_140 : i32 to index
        %swap3A_949 = arith.index_cast %add3A_940 : i32 to index
        %swap3A_950 = arith.constant 16 : index
        %swap3A_951 = tpu.vector_load %arg11[%swap3A_948, %swap3A_949, %swap3A_950] {strides = array<i32>} : memref<4x80x64xf32, #tpu.memory_space<vmem>>, vector<1x1x16xf32>,
        %swap3A_952 = vector.shape_cast %swap3A_951 : vector<1x1x16xf32> to vector<16xf32>
        %swap3A_953 = vector.shape_cast %mul3A_947 : vector<16xf32> to vector<1x1x16xf32>
        tpu.vector_store %arg11[%swap3A_948, %swap3A_949, %swap3A_950], %swap3A_953 {strides = array<i32>} : memref<4x80x64xf32, #tpu.memory_space<vmem>>, vector<1x1x16xf32>,
        %add3A_954 = arith.constant 12 : i32
        %add3A_955 = arith.addi %mul3A_177, %add3A_954 : i32
        %get3A_956 = arith.index_cast %rem3A_140 : i32 to index
        %get3A_957 = arith.index_cast %add3A_955 : i32 to index
        %get3A_958 = arith.constant 32 : index
        %get3A_959 = tpu.vector_load %arg11[%get3A_956, %get3A_957, %get3A_958] {strides = array<i32>} : memref<4x80x64xf32, #tpu.memory_space<vmem>>, vector<1x1x16xf32>,
        %get3A_960 = vector.shape_cast %get3A_959 : vector<1x1x16xf32> to vector<16xf32>
        %mul3A_961 = vector.broadcast %squeeze3A_923 : f32 to vector<16xf32>
        %mul3A_962 = arith.mulf %get3A_960, %mul3A_961 : vector<16xf32>
        %swap3A_963 = arith.index_cast %rem3A_140 : i32 to index
        %swap3A_964 = arith.index_cast %add3A_955 : i32 to index
        %swap3A_965 = arith.constant 32 : index
        %swap3A_966 = tpu.vector_load %arg11[%swap3A_963, %swap3A_964, %swap3A_965] {strides = array<i32>} : memref<4x80x64xf32, #tpu.memory_space<vmem>>, vector<1x1x16xf32>,
        %swap3A_967 = vector.shape_cast %swap3A_966 : vector<1x1x16xf32> to vector<16xf32>
        %swap3A_968 = vector.shape_cast %mul3A_962 : vector<16xf32> to vector<1x1x16xf32>
        tpu.vector_store %arg11[%swap3A_963, %swap3A_964, %swap3A_965], %swap3A_968 {strides = array<i32>} : memref<4x80x64xf32, #tpu.memory_space<vmem>>, vector<1x1x16xf32>,
        %add3A_969 = arith.constant 12 : i32
        %add3A_970 = arith.addi %mul3A_177, %add3A_969 : i32
        %get3A_971 = arith.index_cast %rem3A_140 : i32 to index
        %get3A_972 = arith.index_cast %add3A_970 : i32 to index
        %get3A_973 = arith.constant 48 : index
        %get3A_974 = tpu.vector_load %arg11[%get3A_971, %get3A_972, %get3A_973] {strides = array<i32>} : memref<4x80x64xf32, #tpu.memory_space<vmem>>, vector<1x1x16xf32>,
        %get3A_975 = vector.shape_cast %get3A_974 : vector<1x1x16xf32> to vector<16xf32>
        %mul3A_976 = vector.broadcast %squeeze3A_923 : f32 to vector<16xf32>
        %mul3A_977 = arith.mulf %get3A_975, %mul3A_976 : vector<16xf32>
        %swap3A_978 = arith.index_cast %rem3A_140 : i32 to index
        %swap3A_979 = arith.index_cast %add3A_970 : i32 to index
        %swap3A_980 = arith.constant 48 : index
        %swap3A_981 = tpu.vector_load %arg11[%swap3A_978, %swap3A_979, %swap3A_980] {strides = array<i32>} : memref<4x80x64xf32, #tpu.memory_space<vmem>>, vector<1x1x16xf32>,
        %swap3A_982 = vector.shape_cast %swap3A_981 : vector<1x1x16xf32> to vector<16xf32>
        %swap3A_983 = vector.shape_cast %mul3A_977 : vector<16xf32> to vector<1x1x16xf32>
        tpu.vector_store %arg11[%swap3A_978, %swap3A_979, %swap3A_980], %swap3A_983 {strides = array<i32>} : memref<4x80x64xf32, #tpu.memory_space<vmem>>, vector<1x1x16xf32>,
        %slice3A_984 = vector.extract_strided_slice %get3A_180 {offsets = [13], sizes = [1], strides = [1]} : vector<16xf32> to vector<1xf32>
        %squeeze3A_985 = vector.extract %slice3A_984[0] : f32 from vector<1xf32>
        %add3A_986 = arith.constant 13 : i32
        %add3A_987 = arith.addi %mul3A_177, %add3A_986 : i32
        %get3A_988 = arith.index_cast %rem3A_140 : i32 to index
        %get3A_989 = arith.index_cast %add3A_987 : i32 to index
        %get3A_990 = arith.constant 0 : index
        %get3A_991 = tpu.vector_load %arg11[%get3A_988, %get3A_989, %get3A_990] {strides = array<i32>} : memref<4x80x64xf32, #tpu.memory_space<vmem>>, vector<1x1x16xf32>,
        %get3A_992 = vector.shape_cast %get3A_991 : vector<1x1x16xf32> to vector<16xf32>
        %mul3A_993 = vector.broadcast %squeeze3A_985 : f32 to vector<16xf32>
        %mul3A_994 = arith.mulf %get3A_992, %mul3A_993 : vector<16xf32>
        %swap3A_995 = arith.index_cast %rem3A_140 : i32 to index
        %swap3A_996 = arith.index_cast %add3A_987 : i32 to index
        %swap3A_997 = arith.constant 0 : index
        %swap3A_998 = tpu.vector_load %arg11[%swap3A_995, %swap3A_996, %swap3A_997] {strides = array<i32>} : memref<4x80x64xf32, #tpu.memory_space<vmem>>, vector<1x1x16xf32>,
        %swap3A_999 = vector.shape_cast %swap3A_998 : vector<1x1x16xf32> to vector<16xf32>
        %swap3A_1000 = vector.shape_cast %mul3A_994 : vector<16xf32> to vector<1x1x16xf32>
        tpu.vector_store %arg11[%swap3A_995, %swap3A_996, %swap3A_997], %swap3A_1000 {strides = array<i32>} : memref<4x80x64xf32, #tpu.memory_space<vmem>>, vector<1x1x16xf32>,
        %add3A_1001 = arith.constant 13 : i32
        %add3A_1002 = arith.addi %mul3A_177, %add3A_1001 : i32
        %get3A_1003 = arith.index_cast %rem3A_140 : i32 to index
        %get3A_1004 = arith.index_cast %add3A_1002 : i32 to index
        %get3A_1005 = arith.constant 16 : index
        %get3A_1006 = tpu.vector_load %arg11[%get3A_1003, %get3A_1004, %get3A_1005] {strides = array<i32>} : memref<4x80x64xf32, #tpu.memory_space<vmem>>, vector<1x1x16xf32>,
        %get3A_1007 = vector.shape_cast %get3A_1006 : vector<1x1x16xf32> to vector<16xf32>
        %mul3A_1008 = vector.broadcast %squeeze3A_985 : f32 to vector<16xf32>
        %mul3A_1009 = arith.mulf %get3A_1007, %mul3A_1008 : vector<16xf32>
        %swap3A_1010 = arith.index_cast %rem3A_140 : i32 to index
        %swap3A_1011 = arith.index_cast %add3A_1002 : i32 to index
        %swap3A_1012 = arith.constant 16 : index
        %swap3A_1013 = tpu.vector_load %arg11[%swap3A_1010, %swap3A_1011, %swap3A_1012] {strides = array<i32>} : memref<4x80x64xf32, #tpu.memory_space<vmem>>, vector<1x1x16xf32>,
        %swap3A_1014 = vector.shape_cast %swap3A_1013 : vector<1x1x16xf32> to vector<16xf32>
        %swap3A_1015 = vector.shape_cast %mul3A_1009 : vector<16xf32> to vector<1x1x16xf32>
        tpu.vector_store %arg11[%swap3A_1010, %swap3A_1011, %swap3A_1012], %swap3A_1015 {strides = array<i32>} : memref<4x80x64xf32, #tpu.memory_space<vmem>>, vector<1x1x16xf32>,
        %add3A_1016 = arith.constant 13 : i32
        %add3A_1017 = arith.addi %mul3A_177, %add3A_1016 : i32
        %get3A_1018 = arith.index_cast %rem3A_140 : i32 to index
        %get3A_1019 = arith.index_cast %add3A_1017 : i32 to index
        %get3A_1020 = arith.constant 32 : index
        %get3A_1021 = tpu.vector_load %arg11[%get3A_1018, %get3A_1019, %get3A_1020] {strides = array<i32>} : memref<4x80x64xf32, #tpu.memory_space<vmem>>, vector<1x1x16xf32>,
        %get3A_1022 = vector.shape_cast %get3A_1021 : vector<1x1x16xf32> to vector<16xf32>
        %mul3A_1023 = vector.broadcast %squeeze3A_985 : f32 to vector<16xf32>
        %mul3A_1024 = arith.mulf %get3A_1022, %mul3A_1023 : vector<16xf32>
        %swap3A_1025 = arith.index_cast %rem3A_140 : i32 to index
        %swap3A_1026 = arith.index_cast %add3A_1017 : i32 to index
        %swap3A_1027 = arith.constant 32 : index
        %swap3A_1028 = tpu.vector_load %arg11[%swap3A_1025, %swap3A_1026, %swap3A_1027] {strides = array<i32>} : memref<4x80x64xf32, #tpu.memory_space<vmem>>, vector<1x1x16xf32>,
        %swap3A_1029 = vector.shape_cast %swap3A_1028 : vector<1x1x16xf32> to vector<16xf32>
        %swap3A_1030 = vector.shape_cast %mul3A_1024 : vector<16xf32> to vector<1x1x16xf32>
        tpu.vector_store %arg11[%swap3A_1025, %swap3A_1026, %swap3A_1027], %swap3A_1030 {strides = array<i32>} : memref<4x80x64xf32, #tpu.memory_space<vmem>>, vector<1x1x16xf32>,
        %add3A_1031 = arith.constant 13 : i32
        %add3A_1032 = arith.addi %mul3A_177, %add3A_1031 : i32
        %get3A_1033 = arith.index_cast %rem3A_140 : i32 to index
        %get3A_1034 = arith.index_cast %add3A_1032 : i32 to index
        %get3A_1035 = arith.constant 48 : index
        %get3A_1036 = tpu.vector_load %arg11[%get3A_1033, %get3A_1034, %get3A_1035] {strides = array<i32>} : memref<4x80x64xf32, #tpu.memory_space<vmem>>, vector<1x1x16xf32>,
        %get3A_1037 = vector.shape_cast %get3A_1036 : vector<1x1x16xf32> to vector<16xf32>
        %mul3A_1038 = vector.broadcast %squeeze3A_985 : f32 to vector<16xf32>
        %mul3A_1039 = arith.mulf %get3A_1037, %mul3A_1038 : vector<16xf32>
        %swap3A_1040 = arith.index_cast %rem3A_140 : i32 to index
        %swap3A_1041 = arith.index_cast %add3A_1032 : i32 to index
        %swap3A_1042 = arith.constant 48 : index
        %swap3A_1043 = tpu.vector_load %arg11[%swap3A_1040, %swap3A_1041, %swap3A_1042] {strides = array<i32>} : memref<4x80x64xf32, #tpu.memory_space<vmem>>, vector<1x1x16xf32>,
        %swap3A_1044 = vector.shape_cast %swap3A_1043 : vector<1x1x16xf32> to vector<16xf32>
        %swap3A_1045 = vector.shape_cast %mul3A_1039 : vector<16xf32> to vector<1x1x16xf32>
        tpu.vector_store %arg11[%swap3A_1040, %swap3A_1041, %swap3A_1042], %swap3A_1045 {strides = array<i32>} : memref<4x80x64xf32, #tpu.memory_space<vmem>>, vector<1x1x16xf32>,
        %slice3A_1046 = vector.extract_strided_slice %get3A_180 {offsets = [14], sizes = [1], strides = [1]} : vector<16xf32> to vector<1xf32>
        %squeeze3A_1047 = vector.extract %slice3A_1046[0] : f32 from vector<1xf32>
        %add3A_1048 = arith.constant 14 : i32
        %add3A_1049 = arith.addi %mul3A_177, %add3A_1048 : i32
        %get3A_1050 = arith.index_cast %rem3A_140 : i32 to index
        %get3A_1051 = arith.index_cast %add3A_1049 : i32 to index
        %get3A_1052 = arith.constant 0 : index
        %get3A_1053 = tpu.vector_load %arg11[%get3A_1050, %get3A_1051, %get3A_1052] {strides = array<i32>} : memref<4x80x64xf32, #tpu.memory_space<vmem>>, vector<1x1x16xf32>,
        %get3A_1054 = vector.shape_cast %get3A_1053 : vector<1x1x16xf32> to vector<16xf32>
        %mul3A_1055 = vector.broadcast %squeeze3A_1047 : f32 to vector<16xf32>
        %mul3A_1056 = arith.mulf %get3A_1054, %mul3A_1055 : vector<16xf32>
        %swap3A_1057 = arith.index_cast %rem3A_140 : i32 to index
        %swap3A_1058 = arith.index_cast %add3A_1049 : i32 to index
        %swap3A_1059 = arith.constant 0 : index
        %swap3A_1060 = tpu.vector_load %arg11[%swap3A_1057, %swap3A_1058, %swap3A_1059] {strides = array<i32>} : memref<4x80x64xf32, #tpu.memory_space<vmem>>, vector<1x1x16xf32>,
        %swap3A_1061 = vector.shape_cast %swap3A_1060 : vector<1x1x16xf32> to vector<16xf32>
        %swap3A_1062 = vector.shape_cast %mul3A_1056 : vector<16xf32> to vector<1x1x16xf32>
        tpu.vector_store %arg11[%swap3A_1057, %swap3A_1058, %swap3A_1059], %swap3A_1062 {strides = array<i32>} : memref<4x80x64xf32, #tpu.memory_space<vmem>>, vector<1x1x16xf32>,
        %add3A_1063 = arith.constant 14 : i32
        %add3A_1064 = arith.addi %mul3A_177, %add3A_1063 : i32
        %get3A_1065 = arith.index_cast %rem3A_140 : i32 to index
        %get3A_1066 = arith.index_cast %add3A_1064 : i32 to index
        %get3A_1067 = arith.constant 16 : index
        %get3A_1068 = tpu.vector_load %arg11[%get3A_1065, %get3A_1066, %get3A_1067] {strides = array<i32>} : memref<4x80x64xf32, #tpu.memory_space<vmem>>, vector<1x1x16xf32>,
        %get3A_1069 = vector.shape_cast %get3A_1068 : vector<1x1x16xf32> to vector<16xf32>
        %mul3A_1070 = vector.broadcast %squeeze3A_1047 : f32 to vector<16xf32>
        %mul3A_1071 = arith.mulf %get3A_1069, %mul3A_1070 : vector<16xf32>
        %swap3A_1072 = arith.index_cast %rem3A_140 : i32 to index
        %swap3A_1073 = arith.index_cast %add3A_1064 : i32 to index
        %swap3A_1074 = arith.constant 16 : index
        %swap3A_1075 = tpu.vector_load %arg11[%swap3A_1072, %swap3A_1073, %swap3A_1074] {strides = array<i32>} : memref<4x80x64xf32, #tpu.memory_space<vmem>>, vector<1x1x16xf32>,
        %swap3A_1076 = vector.shape_cast %swap3A_1075 : vector<1x1x16xf32> to vector<16xf32>
        %swap3A_1077 = vector.shape_cast %mul3A_1071 : vector<16xf32> to vector<1x1x16xf32>
        tpu.vector_store %arg11[%swap3A_1072, %swap3A_1073, %swap3A_1074], %swap3A_1077 {strides = array<i32>} : memref<4x80x64xf32, #tpu.memory_space<vmem>>, vector<1x1x16xf32>,
        %add3A_1078 = arith.constant 14 : i32
        %add3A_1079 = arith.addi %mul3A_177, %add3A_1078 : i32
        %get3A_1080 = arith.index_cast %rem3A_140 : i32 to index
        %get3A_1081 = arith.index_cast %add3A_1079 : i32 to index
        %get3A_1082 = arith.constant 32 : index
        %get3A_1083 = tpu.vector_load %arg11[%get3A_1080, %get3A_1081, %get3A_1082] {strides = array<i32>} : memref<4x80x64xf32, #tpu.memory_space<vmem>>, vector<1x1x16xf32>,
        %get3A_1084 = vector.shape_cast %get3A_1083 : vector<1x1x16xf32> to vector<16xf32>
        %mul3A_1085 = vector.broadcast %squeeze3A_1047 : f32 to vector<16xf32>
        %mul3A_1086 = arith.mulf %get3A_1084, %mul3A_1085 : vector<16xf32>
        %swap3A_1087 = arith.index_cast %rem3A_140 : i32 to index
        %swap3A_1088 = arith.index_cast %add3A_1079 : i32 to index
        %swap3A_1089 = arith.constant 32 : index
        %swap3A_1090 = tpu.vector_load %arg11[%swap3A_1087, %swap3A_1088, %swap3A_1089] {strides = array<i32>} : memref<4x80x64xf32, #tpu.memory_space<vmem>>, vector<1x1x16xf32>,
        %swap3A_1091 = vector.shape_cast %swap3A_1090 : vector<1x1x16xf32> to vector<16xf32>
        %swap3A_1092 = vector.shape_cast %mul3A_1086 : vector<16xf32> to vector<1x1x16xf32>
        tpu.vector_store %arg11[%swap3A_1087, %swap3A_1088, %swap3A_1089], %swap3A_1092 {strides = array<i32>} : memref<4x80x64xf32, #tpu.memory_space<vmem>>, vector<1x1x16xf32>,
        %add3A_1093 = arith.constant 14 : i32
        %add3A_1094 = arith.addi %mul3A_177, %add3A_1093 : i32
        %get3A_1095 = arith.index_cast %rem3A_140 : i32 to index
        %get3A_1096 = arith.index_cast %add3A_1094 : i32 to index
        %get3A_1097 = arith.constant 48 : index
        %get3A_1098 = tpu.vector_load %arg11[%get3A_1095, %get3A_1096, %get3A_1097] {strides = array<i32>} : memref<4x80x64xf32, #tpu.memory_space<vmem>>, vector<1x1x16xf32>,
        %get3A_1099 = vector.shape_cast %get3A_1098 : vector<1x1x16xf32> to vector<16xf32>
        %mul3A_1100 = vector.broadcast %squeeze3A_1047 : f32 to vector<16xf32>
        %mul3A_1101 = arith.mulf %get3A_1099, %mul3A_1100 : vector<16xf32>
        %swap3A_1102 = arith.index_cast %rem3A_140 : i32 to index
        %swap3A_1103 = arith.index_cast %add3A_1094 : i32 to index
        %swap3A_1104 = arith.constant 48 : index
        %swap3A_1105 = tpu.vector_load %arg11[%swap3A_1102, %swap3A_1103, %swap3A_1104] {strides = array<i32>} : memref<4x80x64xf32, #tpu.memory_space<vmem>>, vector<1x1x16xf32>,
        %swap3A_1106 = vector.shape_cast %swap3A_1105 : vector<1x1x16xf32> to vector<16xf32>
        %swap3A_1107 = vector.shape_cast %mul3A_1101 : vector<16xf32> to vector<1x1x16xf32>
        tpu.vector_store %arg11[%swap3A_1102, %swap3A_1103, %swap3A_1104], %swap3A_1107 {strides = array<i32>} : memref<4x80x64xf32, #tpu.memory_space<vmem>>, vector<1x1x16xf32>,
        %slice3A_1108 = vector.extract_strided_slice %get3A_180 {offsets = [15], sizes = [1], strides = [1]} : vector<16xf32> to vector<1xf32>
        %squeeze3A_1109 = vector.extract %slice3A_1108[0] : f32 from vector<1xf32>
        %add3A_1110 = arith.constant 15 : i32
        %add3A_1111 = arith.addi %mul3A_177, %add3A_1110 : i32
        %get3A_1112 = arith.index_cast %rem3A_140 : i32 to index
        %get3A_1113 = arith.index_cast %add3A_1111 : i32 to index
        %get3A_1114 = arith.constant 0 : index
        %get3A_1115 = tpu.vector_load %arg11[%get3A_1112, %get3A_1113, %get3A_1114] {strides = array<i32>} : memref<4x80x64xf32, #tpu.memory_space<vmem>>, vector<1x1x16xf32>,
        %get3A_1116 = vector.shape_cast %get3A_1115 : vector<1x1x16xf32> to vector<16xf32>
        %mul3A_1117 = vector.broadcast %squeeze3A_1109 : f32 to vector<16xf32>
        %mul3A_1118 = arith.mulf %get3A_1116, %mul3A_1117 : vector<16xf32>
        %swap3A_1119 = arith.index_cast %rem3A_140 : i32 to index
        %swap3A_1120 = arith.index_cast %add3A_1111 : i32 to index
        %swap3A_1121 = arith.constant 0 : index
        %swap3A_1122 = tpu.vector_load %arg11[%swap3A_1119, %swap3A_1120, %swap3A_1121] {strides = array<i32>} : memref<4x80x64xf32, #tpu.memory_space<vmem>>, vector<1x1x16xf32>,
        %swap3A_1123 = vector.shape_cast %swap3A_1122 : vector<1x1x16xf32> to vector<16xf32>
        %swap3A_1124 = vector.shape_cast %mul3A_1118 : vector<16xf32> to vector<1x1x16xf32>
        tpu.vector_store %arg11[%swap3A_1119, %swap3A_1120, %swap3A_1121], %swap3A_1124 {strides = array<i32>} : memref<4x80x64xf32, #tpu.memory_space<vmem>>, vector<1x1x16xf32>,
        %add3A_1125 = arith.constant 15 : i32
        %add3A_1126 = arith.addi %mul3A_177, %add3A_1125 : i32
        %get3A_1127 = arith.index_cast %rem3A_140 : i32 to index
        %get3A_1128 = arith.index_cast %add3A_1126 : i32 to index
        %get3A_1129 = arith.constant 16 : index
        %get3A_1130 = tpu.vector_load %arg11[%get3A_1127, %get3A_1128, %get3A_1129] {strides = array<i32>} : memref<4x80x64xf32, #tpu.memory_space<vmem>>, vector<1x1x16xf32>,
        %get3A_1131 = vector.shape_cast %get3A_1130 : vector<1x1x16xf32> to vector<16xf32>
        %mul3A_1132 = vector.broadcast %squeeze3A_1109 : f32 to vector<16xf32>
        %mul3A_1133 = arith.mulf %get3A_1131, %mul3A_1132 : vector<16xf32>
        %swap3A_1134 = arith.index_cast %rem3A_140 : i32 to index
        %swap3A_1135 = arith.index_cast %add3A_1126 : i32 to index
        %swap3A_1136 = arith.constant 16 : index
        %swap3A_1137 = tpu.vector_load %arg11[%swap3A_1134, %swap3A_1135, %swap3A_1136] {strides = array<i32>} : memref<4x80x64xf32, #tpu.memory_space<vmem>>, vector<1x1x16xf32>,
        %swap3A_1138 = vector.shape_cast %swap3A_1137 : vector<1x1x16xf32> to vector<16xf32>
        %swap3A_1139 = vector.shape_cast %mul3A_1133 : vector<16xf32> to vector<1x1x16xf32>
        tpu.vector_store %arg11[%swap3A_1134, %swap3A_1135, %swap3A_1136], %swap3A_1139 {strides = array<i32>} : memref<4x80x64xf32, #tpu.memory_space<vmem>>, vector<1x1x16xf32>,
        %add3A_1140 = arith.constant 15 : i32
        %add3A_1141 = arith.addi %mul3A_177, %add3A_1140 : i32
        %get3A_1142 = arith.index_cast %rem3A_140 : i32 to index
        %get3A_1143 = arith.index_cast %add3A_1141 : i32 to index
        %get3A_1144 = arith.constant 32 : index
        %get3A_1145 = tpu.vector_load %arg11[%get3A_1142, %get3A_1143, %get3A_1144] {strides = array<i32>} : memref<4x80x64xf32, #tpu.memory_space<vmem>>, vector<1x1x16xf32>,
        %get3A_1146 = vector.shape_cast %get3A_1145 : vector<1x1x16xf32> to vector<16xf32>
        %mul3A_1147 = vector.broadcast %squeeze3A_1109 : f32 to vector<16xf32>
        %mul3A_1148 = arith.mulf %get3A_1146, %mul3A_1147 : vector<16xf32>
        %swap3A_1149 = arith.index_cast %rem3A_140 : i32 to index
        %swap3A_1150 = arith.index_cast %add3A_1141 : i32 to index
        %swap3A_1151 = arith.constant 32 : index
        %swap3A_1152 = tpu.vector_load %arg11[%swap3A_1149, %swap3A_1150, %swap3A_1151] {strides = array<i32>} : memref<4x80x64xf32, #tpu.memory_space<vmem>>, vector<1x1x16xf32>,
        %swap3A_1153 = vector.shape_cast %swap3A_1152 : vector<1x1x16xf32> to vector<16xf32>
        %swap3A_1154 = vector.shape_cast %mul3A_1148 : vector<16xf32> to vector<1x1x16xf32>
        tpu.vector_store %arg11[%swap3A_1149, %swap3A_1150, %swap3A_1151], %swap3A_1154 {strides = array<i32>} : memref<4x80x64xf32, #tpu.memory_space<vmem>>, vector<1x1x16xf32>,
        %add3A_1155 = arith.constant 15 : i32
        %add3A_1156 = arith.addi %mul3A_177, %add3A_1155 : i32
        %get3A_1157 = arith.index_cast %rem3A_140 : i32 to index
        %get3A_1158 = arith.index_cast %add3A_1156 : i32 to index
        %get3A_1159 = arith.constant 48 : index
        %get3A_1160 = tpu.vector_load %arg11[%get3A_1157, %get3A_1158, %get3A_1159] {strides = array<i32>} : memref<4x80x64xf32, #tpu.memory_space<vmem>>, vector<1x1x16xf32>,
        %get3A_1161 = vector.shape_cast %get3A_1160 : vector<1x1x16xf32> to vector<16xf32>
        %mul3A_1162 = vector.broadcast %squeeze3A_1109 : f32 to vector<16xf32>
        %mul3A_1163 = arith.mulf %get3A_1161, %mul3A_1162 : vector<16xf32>
        %swap3A_1164 = arith.index_cast %rem3A_140 : i32 to index
        %swap3A_1165 = arith.index_cast %add3A_1156 : i32 to index
        %swap3A_1166 = arith.constant 48 : index
        %swap3A_1167 = tpu.vector_load %arg11[%swap3A_1164, %swap3A_1165, %swap3A_1166] {strides = array<i32>} : memref<4x80x64xf32, #tpu.memory_space<vmem>>, vector<1x1x16xf32>,
        %swap3A_1168 = vector.shape_cast %swap3A_1167 : vector<1x1x16xf32> to vector<16xf32>
        %swap3A_1169 = vector.shape_cast %mul3A_1163 : vector<16xf32> to vector<1x1x16xf32>
        tpu.vector_store %arg11[%swap3A_1164, %swap3A_1165, %swap3A_1166], %swap3A_1169 {strides = array<i32>} : memref<4x80x64xf32, #tpu.memory_space<vmem>>, vector<1x1x16xf32>,
      }
      %scan3A_158 = arith.constant 5 : i32
      %dma_start3A_159 = arith.constant 0 : i32
      %dma_start3A_160 = arith.constant 0 : i32
      %dma_start3A_161 = tpu.memref_slice %arg11[%rem3A_140, %dma_start3A_159, %dma_start3A_160] : memref<4x80x64xf32, #tpu.memory_space<vmem>> -> memref<1x80x64xf32, #tpu.memory_space<vmem>>
      %dma_start3A_162 = tpu.memref_squeeze %dma_start3A_161 : memref<1x80x64xf32, #tpu.memory_space<vmem>> -> memref<80x64xf32, #tpu.memory_space<vmem>>
      %dma_start3A_163 = arith.constant 0 : i32
      %dma_start3A_164 = tpu.memref_slice %arg9[%scan3A_139, %dma_start3A_163] : memref<250x80xi32, #tpu.memory_space<vmem>> -> memref<1x80xi32, #tpu.memory_space<vmem>>
      %dma_start3A_165 = tpu.memref_squeeze %dma_start3A_164 : memref<1x80xi32, #tpu.memory_space<vmem>> -> memref<80xi32, #tpu.memory_space<vmem>>
      %dma_start3A_166 = arith.constant 0 : i32
      %dma_start3A_167 = arith.constant 0 : i32
      %dma_start3A_168 = tpu.memref_slice %arg12[%dma_start3A_166, %dma_start3A_167] : memref<10000x64xf32, #tpu.memory_space<vmem_shared>> -> memref<10000x64xf32, #tpu.memory_space<vmem_shared>>
      %dma_start3A_169 = tpu.memref_slice %arg14[%rem3A_140] : memref<4x!tpu.dma_semaphore, #tpu.memory_space<semaphore_mem>> -> memref<1x!tpu.dma_semaphore, #tpu.memory_space<semaphore_mem>>
      %dma_start3A_170 = tpu.memref_squeeze %dma_start3A_169 : memref<1x!tpu.dma_semaphore, #tpu.memory_space<semaphore_mem>> -> memref<!tpu.dma_semaphore, #tpu.memory_space<semaphore_mem>>
      tpu.enqueue_indirect_dma source(%dma_start3A_162 : memref<80x64xf32, #tpu.memory_space<vmem>>) target(%dma_start3A_168 : memref<10000x64xf32, #tpu.memory_space<vmem_shared>>) offsets(%dma_start3A_165 : memref<80xi32, #tpu.memory_space<vmem>>) semaphore(%dma_start3A_170 : memref<!tpu.dma_semaphore, #tpu.memory_space<semaphore_mem>>) {add = true}
      %ge3A = arith.constant 1 : i32
      %ge3A_171 = arith.cmpi sge, %scan3A_139, %ge3A : i32
      %add3A = arith.constant 3 : i32
      %add3A_172 = arith.addi %scan3A_139, %add3A : i32
      %lt3A = arith.constant 250 : i32
      %lt3A_173 = arith.cmpi slt, %add3A_172, %lt3A : i32
      %and3A = arith.andi %ge3A_171, %lt3A_173 : i1
      %convert_element_type3A = arith.extui %and3A : i1 to i32
      %cond3A = arith.constant 0 : i32
      %cond3A_174 = arith.cmpi ne, %convert_element_type3A, %cond3A : i32
      scf.if %cond3A_174 {
        %sub3A = arith.constant 1 : i32
        %sub3A_175 = arith.subi %scan3A_139, %sub3A : i32
        %rem3A_176 = arith.constant 4 : i32
        %rem3A_177 = arith.remsi %sub3A_175, %rem3A_176 : i32
        %sub3A_178 = arith.constant 1 : i32
        %sub3A_179 = arith.subi %scan3A_139, %sub3A_178 : i32
        %dma_wait3A_180 = arith.constant 0 : i32
        %dma_wait3A_181 = arith.constant 0 : i32
        %dma_wait3A_182 = tpu.memref_slice %arg11[%rem3A_177, %dma_wait3A_180, %dma_wait3A_181] : memref<4x80x64xf32, #tpu.memory_space<vmem>> -> memref<1x80x64xf32, #tpu.memory_space<vmem>>
        %dma_wait3A_183 = tpu.memref_squeeze %dma_wait3A_182 : memref<1x80x64xf32, #tpu.memory_space<vmem>> -> memref<80x64xf32, #tpu.memory_space<vmem>>
        %dma_wait3A_184 = arith.constant 0 : i32
        %dma_wait3A_185 = tpu.memref_slice %arg9[%sub3A_179, %dma_wait3A_184] : memref<250x80xi32, #tpu.memory_space<vmem>> -> memref<1x80xi32, #tpu.memory_space<vmem>>
        %dma_wait3A_186 = tpu.memref_squeeze %dma_wait3A_185 : memref<1x80xi32, #tpu.memory_space<vmem>> -> memref<80xi32, #tpu.memory_space<vmem>>
        %dma_wait3A_187 = arith.constant 0 : i32
        %dma_wait3A_188 = arith.constant 0 : i32
        %dma_wait3A_189 = tpu.memref_slice %arg12[%dma_wait3A_187, %dma_wait3A_188] : memref<10000x64xf32, #tpu.memory_space<vmem_shared>> -> memref<10000x64xf32, #tpu.memory_space<vmem_shared>>
        %dma_wait3A_190 = tpu.memref_slice %arg14[%rem3A_177] : memref<4x!tpu.dma_semaphore, #tpu.memory_space<semaphore_mem>> -> memref<1x!tpu.dma_semaphore, #tpu.memory_space<semaphore_mem>>
        %dma_wait3A_191 = tpu.memref_squeeze %dma_wait3A_190 : memref<1x!tpu.dma_semaphore, #tpu.memory_space<semaphore_mem>> -> memref<!tpu.dma_semaphore, #tpu.memory_space<semaphore_mem>>
        tpu.wait_indirect_dma semaphore(%dma_wait3A_191 : memref<!tpu.dma_semaphore, #tpu.memory_space<semaphore_mem>>) src(%dma_wait3A_183 : memref<80x64xf32, #tpu.memory_space<vmem>>) dst(%dma_wait3A_189 : memref<10000x64xf32, #tpu.memory_space<vmem_shared>>)
        %add3A_192 = arith.constant 3 : i32
        %add3A_193 = arith.addi %scan3A_139, %add3A_192 : i32
        %dma_start3A_194 = arith.constant 0 : i32
        %dma_start3A_195 = arith.constant 0 : i32
        %dma_start3A_196 = tpu.memref_slice %arg11[%rem3A_177, %dma_start3A_194, %dma_start3A_195] : memref<4x80x64xf32, #tpu.memory_space<vmem>> -> memref<1x80x64xf32, #tpu.memory_space<vmem>>
        %dma_start3A_197 = tpu.memref_squeeze %dma_start3A_196 : memref<1x80x64xf32, #tpu.memory_space<vmem>> -> memref<80x64xf32, #tpu.memory_space<vmem>>
        %dma_start3A_198 = arith.constant 0 : i32
        %dma_start3A_199 = tpu.memref_slice %arg8[%add3A_193, %dma_start3A_198] : memref<250x80xi32, #tpu.memory_space<vmem>> -> memref<1x80xi32, #tpu.memory_space<vmem>>
        %dma_start3A_200 = tpu.memref_squeeze %dma_start3A_199 : memref<1x80xi32, #tpu.memory_space<vmem>> -> memref<80xi32, #tpu.memory_space<vmem>>
        %dma_start3A_201 = arith.constant 0 : i32
        %dma_start3A_202 = arith.constant 0 : i32
        %dma_start3A_203 = tpu.memref_slice %arg2[%dma_start3A_201, %dma_start3A_202] : memref<20000x64xf32, #tpu.memory_space<hbm>> -> memref<20000x64xf32, #tpu.memory_space<hbm>>
        %dma_start3A_204 = tpu.memref_slice %arg13[%rem3A_177] : memref<4x!tpu.dma_semaphore, #tpu.memory_space<semaphore_mem>> -> memref<1x!tpu.dma_semaphore, #tpu.memory_space<semaphore_mem>>
        %dma_start3A_205 = tpu.memref_squeeze %dma_start3A_204 : memref<1x!tpu.dma_semaphore, #tpu.memory_space<semaphore_mem>> -> memref<!tpu.dma_semaphore, #tpu.memory_space<semaphore_mem>>
        tpu.enqueue_indirect_dma source(%dma_start3A_203 : memref<20000x64xf32, #tpu.memory_space<hbm>>) target(%dma_start3A_197 : memref<80x64xf32, #tpu.memory_space<vmem>>) offsets(%dma_start3A_200 : memref<80xi32, #tpu.memory_space<vmem>>) semaphore(%dma_start3A_205 : memref<!tpu.dma_semaphore, #tpu.memory_space<semaphore_mem>>)
      } else {
      }
    }
    %scan3A_72 = arith.constant 250 : i32
    %dma_wait3A = arith.constant 2 : i32
    %dma_wait3A_73 = arith.constant 246 : i32
    %dma_wait3A_74 = arith.constant 2 : i32
    %dma_wait3A_75 = arith.constant 0 : i32
    %dma_wait3A_76 = arith.constant 0 : i32
    %dma_wait3A_77 = tpu.memref_slice %arg11[%dma_wait3A, %dma_wait3A_75, %dma_wait3A_76] : memref<4x80x64xf32, #tpu.memory_space<vmem>> -> memref<1x80x64xf32, #tpu.memory_space<vmem>>
    %dma_wait3A_78 = tpu.memref_squeeze %dma_wait3A_77 : memref<1x80x64xf32, #tpu.memory_space<vmem>> -> memref<80x64xf32, #tpu.memory_space<vmem>>
    %dma_wait3A_79 = arith.constant 0 : i32
    %dma_wait3A_80 = tpu.memref_slice %arg9[%dma_wait3A_73, %dma_wait3A_79] : memref<250x80xi32, #tpu.memory_space<vmem>> -> memref<1x80xi32, #tpu.memory_space<vmem>>
    %dma_wait3A_81 = tpu.memref_squeeze %dma_wait3A_80 : memref<1x80xi32, #tpu.memory_space<vmem>> -> memref<80xi32, #tpu.memory_space<vmem>>
    %dma_wait3A_82 = arith.constant 0 : i32
    %dma_wait3A_83 = arith.constant 0 : i32
    %dma_wait3A_84 = tpu.memref_slice %arg12[%dma_wait3A_82, %dma_wait3A_83] : memref<10000x64xf32, #tpu.memory_space<vmem_shared>> -> memref<10000x64xf32, #tpu.memory_space<vmem_shared>>
    %dma_wait3A_85 = tpu.memref_slice %arg14[%dma_wait3A_74] : memref<4x!tpu.dma_semaphore, #tpu.memory_space<semaphore_mem>> -> memref<1x!tpu.dma_semaphore, #tpu.memory_space<semaphore_mem>>
    %dma_wait3A_86 = tpu.memref_squeeze %dma_wait3A_85 : memref<1x!tpu.dma_semaphore, #tpu.memory_space<semaphore_mem>> -> memref<!tpu.dma_semaphore, #tpu.memory_space<semaphore_mem>>
    tpu.wait_indirect_dma semaphore(%dma_wait3A_86 : memref<!tpu.dma_semaphore, #tpu.memory_space<semaphore_mem>>) src(%dma_wait3A_78 : memref<80x64xf32, #tpu.memory_space<vmem>>) dst(%dma_wait3A_84 : memref<10000x64xf32, #tpu.memory_space<vmem_shared>>)
    %dma_wait3A_87 = arith.constant 3 : i32
    %dma_wait3A_88 = arith.constant 247 : i32
    %dma_wait3A_89 = arith.constant 3 : i32
    %dma_wait3A_90 = arith.constant 0 : i32
    %dma_wait3A_91 = arith.constant 0 : i32
    %dma_wait3A_92 = tpu.memref_slice %arg11[%dma_wait3A_87, %dma_wait3A_90, %dma_wait3A_91] : memref<4x80x64xf32, #tpu.memory_space<vmem>> -> memref<1x80x64xf32, #tpu.memory_space<vmem>>
    %dma_wait3A_93 = tpu.memref_squeeze %dma_wait3A_92 : memref<1x80x64xf32, #tpu.memory_space<vmem>> -> memref<80x64xf32, #tpu.memory_space<vmem>>
    %dma_wait3A_94 = arith.constant 0 : i32
    %dma_wait3A_95 = tpu.memref_slice %arg9[%dma_wait3A_88, %dma_wait3A_94] : memref<250x80xi32, #tpu.memory_space<vmem>> -> memref<1x80xi32, #tpu.memory_space<vmem>>
    %dma_wait3A_96 = tpu.memref_squeeze %dma_wait3A_95 : memref<1x80xi32, #tpu.memory_space<vmem>> -> memref<80xi32, #tpu.memory_space<vmem>>
    %dma_wait3A_97 = arith.constant 0 : i32
    %dma_wait3A_98 = arith.constant 0 : i32
    %dma_wait3A_99 = tpu.memref_slice %arg12[%dma_wait3A_97, %dma_wait3A_98] : memref<10000x64xf32, #tpu.memory_space<vmem_shared>> -> memref<10000x64xf32, #tpu.memory_space<vmem_shared>>
    %dma_wait3A_100 = tpu.memref_slice %arg14[%dma_wait3A_89] : memref<4x!tpu.dma_semaphore, #tpu.memory_space<semaphore_mem>> -> memref<1x!tpu.dma_semaphore, #tpu.memory_space<semaphore_mem>>
    %dma_wait3A_101 = tpu.memref_squeeze %dma_wait3A_100 : memref<1x!tpu.dma_semaphore, #tpu.memory_space<semaphore_mem>> -> memref<!tpu.dma_semaphore, #tpu.memory_space<semaphore_mem>>
    tpu.wait_indirect_dma semaphore(%dma_wait3A_101 : memref<!tpu.dma_semaphore, #tpu.memory_space<semaphore_mem>>) src(%dma_wait3A_93 : memref<80x64xf32, #tpu.memory_space<vmem>>) dst(%dma_wait3A_99 : memref<10000x64xf32, #tpu.memory_space<vmem_shared>>)
    %dma_wait3A_102 = arith.constant 0 : i32
    %dma_wait3A_103 = arith.constant 248 : i32
    %dma_wait3A_104 = arith.constant 0 : i32
    %dma_wait3A_105 = arith.constant 0 : i32
    %dma_wait3A_106 = arith.constant 0 : i32
    %dma_wait3A_107 = tpu.memref_slice %arg11[%dma_wait3A_102, %dma_wait3A_105, %dma_wait3A_106] : memref<4x80x64xf32, #tpu.memory_space<vmem>> -> memref<1x80x64xf32, #tpu.memory_space<vmem>>
    %dma_wait3A_108 = tpu.memref_squeeze %dma_wait3A_107 : memref<1x80x64xf32, #tpu.memory_space<vmem>> -> memref<80x64xf32, #tpu.memory_space<vmem>>
    %dma_wait3A_109 = arith.constant 0 : i32
    %dma_wait3A_110 = tpu.memref_slice %arg9[%dma_wait3A_103, %dma_wait3A_109] : memref<250x80xi32, #tpu.memory_space<vmem>> -> memref<1x80xi32, #tpu.memory_space<vmem>>
    %dma_wait3A_111 = tpu.memref_squeeze %dma_wait3A_110 : memref<1x80xi32, #tpu.memory_space<vmem>> -> memref<80xi32, #tpu.memory_space<vmem>>
    %dma_wait3A_112 = arith.constant 0 : i32
    %dma_wait3A_113 = arith.constant 0 : i32
    %dma_wait3A_114 = tpu.memref_slice %arg12[%dma_wait3A_112, %dma_wait3A_113] : memref<10000x64xf32, #tpu.memory_space<vmem_shared>> -> memref<10000x64xf32, #tpu.memory_space<vmem_shared>>
    %dma_wait3A_115 = tpu.memref_slice %arg14[%dma_wait3A_104] : memref<4x!tpu.dma_semaphore, #tpu.memory_space<semaphore_mem>> -> memref<1x!tpu.dma_semaphore, #tpu.memory_space<semaphore_mem>>
    %dma_wait3A_116 = tpu.memref_squeeze %dma_wait3A_115 : memref<1x!tpu.dma_semaphore, #tpu.memory_space<semaphore_mem>> -> memref<!tpu.dma_semaphore, #tpu.memory_space<semaphore_mem>>
    tpu.wait_indirect_dma semaphore(%dma_wait3A_116 : memref<!tpu.dma_semaphore, #tpu.memory_space<semaphore_mem>>) src(%dma_wait3A_108 : memref<80x64xf32, #tpu.memory_space<vmem>>) dst(%dma_wait3A_114 : memref<10000x64xf32, #tpu.memory_space<vmem_shared>>)
    %dma_wait3A_117 = arith.constant 1 : i32
    %dma_wait3A_118 = arith.constant 249 : i32
    %dma_wait3A_119 = arith.constant 1 : i32
    %dma_wait3A_120 = arith.constant 0 : i32
    %dma_wait3A_121 = arith.constant 0 : i32
    %dma_wait3A_122 = tpu.memref_slice %arg11[%dma_wait3A_117, %dma_wait3A_120, %dma_wait3A_121] : memref<4x80x64xf32, #tpu.memory_space<vmem>> -> memref<1x80x64xf32, #tpu.memory_space<vmem>>
    %dma_wait3A_123 = tpu.memref_squeeze %dma_wait3A_122 : memref<1x80x64xf32, #tpu.memory_space<vmem>> -> memref<80x64xf32, #tpu.memory_space<vmem>>
    %dma_wait3A_124 = arith.constant 0 : i32
    %dma_wait3A_125 = tpu.memref_slice %arg9[%dma_wait3A_118, %dma_wait3A_124] : memref<250x80xi32, #tpu.memory_space<vmem>> -> memref<1x80xi32, #tpu.memory_space<vmem>>
    %dma_wait3A_126 = tpu.memref_squeeze %dma_wait3A_125 : memref<1x80xi32, #tpu.memory_space<vmem>> -> memref<80xi32, #tpu.memory_space<vmem>>
    %dma_wait3A_127 = arith.constant 0 : i32
    %dma_wait3A_128 = arith.constant 0 : i32
    %dma_wait3A_129 = tpu.memref_slice %arg12[%dma_wait3A_127, %dma_wait3A_128] : memref<10000x64xf32, #tpu.memory_space<vmem_shared>> -> memref<10000x64xf32, #tpu.memory_space<vmem_shared>>
    %dma_wait3A_130 = tpu.memref_slice %arg14[%dma_wait3A_119] : memref<4x!tpu.dma_semaphore, #tpu.memory_space<semaphore_mem>> -> memref<1x!tpu.dma_semaphore, #tpu.memory_space<semaphore_mem>>
    %dma_wait3A_131 = tpu.memref_squeeze %dma_wait3A_130 : memref<1x!tpu.dma_semaphore, #tpu.memory_space<semaphore_mem>> -> memref<!tpu.dma_semaphore, #tpu.memory_space<semaphore_mem>>
    tpu.wait_indirect_dma semaphore(%dma_wait3A_131 : memref<!tpu.dma_semaphore, #tpu.memory_space<semaphore_mem>>) src(%dma_wait3A_123 : memref<80x64xf32, #tpu.memory_space<vmem>>) dst(%dma_wait3A_129 : memref<10000x64xf32, #tpu.memory_space<vmem_shared>>)
    %barrier3A_132 = arith.constant 0 : index
    tpu.barrier barrier_id(%barrier3A_132)
    %mul3A_133 = arith.constant 625 : i32
    %mul3A_134 = arith.muli %arg1, %mul3A_133 : i32
    %mul3A_135 = arith.constant 625 : i32
    %mul3A_136 = arith.muli %arg1, %mul3A_135 : i32
    %mul3A_137 = arith.constant 64 : i32
    %mul3A_138 = arith.muli %arg0, %mul3A_137 : i32
    "tpu.region"() ({
      %run_scoped3A = tpu.sem_alloc : memref<!tpu.dma_semaphore, #tpu.memory_space<semaphore_mem>>
      %dma_start3A_139 = tpu.memref_slice %arg7[%mul3A_136, %mul3A_138] : memref<10000x128xf32, #tpu.memory_space<hbm>> -> memref<625x64xf32, #tpu.memory_space<hbm>>
      %dma_start3A_140 = arith.constant 0 : i32
      %dma_start3A_141 = tpu.memref_slice %arg12[%mul3A_134, %dma_start3A_140] : memref<10000x64xf32, #tpu.memory_space<vmem_shared>> -> memref<625x64xf32, #tpu.memory_space<vmem_shared>>
      tpu.enqueue_dma source(%dma_start3A_141 : memref<625x64xf32, #tpu.memory_space<vmem_shared>>) target(%dma_start3A_139 : memref<625x64xf32, #tpu.memory_space<hbm>>) target_semaphore(%run_scoped3A : memref<!tpu.dma_semaphore, #tpu.memory_space<semaphore_mem>>)
      %dma_wait3A_142 = tpu.memref_slice %arg7[%mul3A_136, %mul3A_138] : memref<10000x128xf32, #tpu.memory_space<hbm>> -> memref<625x64xf32, #tpu.memory_space<hbm>>
      %dma_wait3A_143 = arith.constant 0 : i32
      %dma_wait3A_144 = tpu.memref_slice %arg12[%mul3A_134, %dma_wait3A_143] : memref<10000x64xf32, #tpu.memory_space<vmem_shared>> -> memref<625x64xf32, #tpu.memory_space<vmem_shared>>
      tpu.wait_dma2 semaphore(%run_scoped3A : memref<!tpu.dma_semaphore, #tpu.memory_space<semaphore_mem>>) src(%dma_wait3A_144 : memref<625x64xf32, #tpu.memory_space<vmem_shared>>) dst(%dma_wait3A_142 : memref<625x64xf32, #tpu.memory_space<hbm>>)
      tpu.yield
    }) : () -> ()
    return
  }
}

module attributes {stable_mosaic.version = 14 : i64} {
  func.func @_matmul_body(%arg0: i32, %arg1: memref<1000x128xf32, #tpu.memory_space<vmem>>, %arg2: memref<128x128xf32, #tpu.memory_space<vmem>>, %arg3: memref<1000x128xf32, #tpu.memory_space<vmem>>) attributes {dimension_semantics = [#tpu.dimension_semantics<arbitrary>], iteration_bounds = array<i64: 10>, scalar_prefetch = 0 : i64, scratch_operands = 0 : i64, tpu.core_type = #tpu.core_type<tc>, window_params = [{transform_indices = @transform_0, window_bounds = array<i64: 1000, 128>}, {pipeline_mode = #tpu.pipeline_mode<synchronous>, transform_indices = @transform_1, window_bounds = array<i64: 128, 128>}, {transform_indices = @transform_2, window_bounds = array<i64: 1000, 128>}]} {
    %get3A = arith.constant 0 : index
    %get3A_0 = arith.constant 0 : index
    %get3A_1 = vector.load %arg1[%get3A, %get3A_0] : memref<1000x128xf32, #tpu.memory_space<vmem>>, vector<1000x128xf32>
    %get3A_2 = arith.constant 0 : index
    %get3A_3 = arith.constant 0 : index
    %get3A_4 = vector.load %arg2[%get3A_2, %get3A_3] : memref<128x128xf32, #tpu.memory_space<vmem>>, vector<128x128xf32>
    %dot_general3A = arith.constant dense<0.000000e+00> : vector<1000x128xf32>
    %dot_general3A_5 = tpu.matmul %get3A_1, %get3A_4, %dot_general3A {dimension_numbers = #tpu.dot_dimension_numbers<[1], [0], [0], [1], [0, 0, 1, 1], [], []>, transpose_lhs_hint = false} : vector<1000x128xf32>, vector<128x128xf32>, vector<1000x128xf32> -> vector<1000x128xf32>
    %swap3A = arith.constant 0 : index
    %swap3A_6 = arith.constant 0 : index
    %swap3A_7 = vector.load %arg3[%swap3A, %swap3A_6] : memref<1000x128xf32, #tpu.memory_space<vmem>>, vector<1000x128xf32>
    tpu.vector_store %arg3[%swap3A, %swap3A_6], %dot_general3A_5 {strides = array<i32>} : memref<1000x128xf32, #tpu.memory_space<vmem>>, vector<1000x128xf32>,
    return
  }
  func.func @transform_0(%arg0: i32) -> (i32, i32) {
    %c0_i32 = arith.constant 0 : i32
    %c0_i32_0 = arith.constant 0 : i32
    return %arg0, %c0_i32 : i32, i32
  }
  func.func @transform_1(%arg0: i32) -> (i32, i32) {
    %c0_i32 = arith.constant 0 : i32
    %c0_i32_0 = arith.constant 0 : i32
    %c0_i32_1 = arith.constant 0 : i32
    return %c0_i32, %c0_i32_0 : i32, i32
  }
  func.func @transform_2(%arg0: i32) -> (i32, i32) {
    %c0_i32 = arith.constant 0 : i32
    %c0_i32_0 = arith.constant 0 : i32
    return %arg0, %c0_i32 : i32, i32
  }
}

</mosaic_0001>

<sc_bundles>
// kernel: kernel.4.cloned.1.call-start
scs
__scs_entry_jumppad:
0x0: {  	(pc) =	sbr.rel $0x88, $3  }
0x1: {  	(tag) =	ssettag $0x0;
	lr =	simm.s32 $0x1  }
0x2: {  	[smem:$0x3F9D] =	sst lr;
	_ =	strace $0xD0000000  }
0x3: {  	_ = 	snop  }
0x4: {  	_ = 	snop  }
0x5: {  	_ = 	snop  }
0x6: {  	_ = 	snop  }
0x7: {  	_ = 	snop  }
__scs_overlays_trampoline_lowered:
0x8: {  	[smem:$0x3FAC] =	sst s0  }
0x9: {  	[smem:$0x3FAD] =	sst s1  }
0xa: {  	[smem:$0x3FAE] =	sst s2  }
0xb: {  	[smem:$0x3FAF] =	sst s3  }
0xc: {  	[smem:$0x3FB0] =	sst s4  }
0xd: {  	[smem:$0x3FB1] =	sst s5  }
0xe: {  	[smem:$0x3FB2] =	sst s6  }
0xf: {  	[smem:$0x3FB3] =	sst s7  }
0x10: {  	[smem:$0x3FB4] =	sst s8  }
0x11: {  	[smem:$0x3FB5] =	sst s9;
	s0 =	simm.s32 @!p0 $0x0  }
0x12: {  	s1 =	sld [smem:$0x3F9B];
	s0 =	simm.s32 @p0 $0x1  }
0x13: {  	[smem:$0x3FB6] =	sst s0;
	s0 =	simm.s32 @!p1 $0x0  }
0x14: {  	s2 =	sld [smem:$0x3F9A];
	s0 =	simm.s32 @p1 $0x1  }
0x15: {  	[smem:$0x3FB7] =	sst s0;
	s0 =	simm.s32 @!p2 $0x0  }
0x16: {  	s3 =	sld [smem:$0x3FDB];
	s0 =	simm.s32 @p2 $0x1  }
0x17: {  	s4 =	simm.s32 $0x1BF5;
	[smem:$0x3FB9] =	sst s0  }
0x18: {  	s0 =	sld [smem:$0x3F9C];
	_ =	swait.ge [sflag:s4], $0x0  }
0x19: {  	s7 =	sld [smem:$0x3F9D]  }
0x1a: {  	s8 =	sadd.s32 $0xFFFFE003, lr  }
0x1b: {  	s9 =	sadd.s32 $0xFFFFFEF7, lr;
	s5 =	simm.s32 $0xFFFFFFFF;
	p2 =	slt.u32 s8, $0xFFFFF086  }
0x1c: {  	p1 =	slt.u32 s9, $0xF7A;
	s5 =	simm.s32 @!p2 $0x0  }
0x1d: {  	s5 =	simm.s32 @p1 $0x1;
	p0 =	seq.s32 s7, s2  }
0x1e: {  	s7 =	smul.u32 @!p0 $0xF7A, s2;
	p2 =	seq.s32 @!p0 s5, $0x0  }
0x1f: {  	s9 =	smul.u32 $0xF7A, s1;
	s8 =	simm.s32 @!p0 $0x1BF5;
	p2 =	por !p2, p0  }
0x20: {  	[sflag:s8] =	ssyncset.s32 @!p0 $0xFFFFF086;
	s6 =	sadd.s32 @!p0 s3, s7;
	s7 =	simm.s32 @!p0 $0x108  }
0x21: {  	s3 =	sadd.s32 s3, s9;
	s6 =	sadd.s32 @!p0 $0x88, s6;
	s7 =	simm.s32 @p2 $0x1082  }
0x22: {  	[simem:s7], [sflag:s8] =	dma.local @!p0 [hbm:s6], $0xF7A  }
0x23: {  	s9 =	sor.u32 $0xD0000000, s2;
	s6 =	simm.s32 $0x108;
	_ =	swait.ge @!p0 [sflag:s8], $0x0  }
0x24: {  	s3 =	sadd.s32 $0x88, s3;
	s6 =	simm.s32 @!p1 $0x1082;
	[sflag:s4] =	ssyncset.s32 $0xFFFFF086  }
0x25: {  	[simem:s6], [sflag:s4] =	dma.local [hbm:s3], $0xF7A  }
0x26: {  	[smem:$0x3F9D] =	sst s1;
	(tag) =	ssettag s2;
	_ =	strace s9  }
0x27: {  	s1 =	sld [smem:$0x3FAD]  }
0x28: {  	s2 =	sld [smem:$0x3FAE]  }
0x29: {  	s4 =	sld [smem:$0x3FB0]  }
0x2a: {  	p0 =	seq.s32 s5, $0x0;
	s5 =	sld [smem:$0x3FB1]  }
0x2b: {  	s6 =	sld [smem:$0x3FB2]  }
0x2c: {  	s7 =	sld [smem:$0x3FB3]  }
0x2d: {  	s3 =	simm.s32 $0x108;
	s8 =	sld [smem:$0x3FB4]  }
0x2e: {  	s3 =	simm.s32 @!p0 $0x1082;
	s9 =	sld [smem:$0x3FB5]  }
0x2f: {  	lr =	sadd.s32 s0, s3;
	s0 =	sld [smem:$0x3FAC]  }
0x30: {  	s3 =	sld [smem:$0x3FAF]  }
0x31: {  	[smem:$0x3FB8] =	sst s10  }
0x32: {  	s10 =	sld [smem:$0x3FB6];
	_ =	sdelay $0x3  }
0x33: {  	p0 =	seq.s32 s10, $0x1;
	s10 =	sld [smem:$0x3FB8];
	_ =	sdelay $0x3  }
0x34: {  	[smem:$0x3FB8] =	sst s10  }
0x35: {  	s10 =	sld [smem:$0x3FB7];
	_ =	sdelay $0x3  }
0x36: {  	p1 =	seq.s32 s10, $0x1;
	s10 =	sld [smem:$0x3FB8];
	_ =	sdelay $0x3  }
0x37: {  	[smem:$0x3FB8] =	sst s10  }
0x38: {  	s10 =	sld [smem:$0x3FB9]  }
0x39: {  	_ = 	snop;
	(pc) =	sbr.ind lr, $3  }
0x3a: {  	_ = 	snop  }
0x3b: {  	_ = 	snop  }
0x3c: {  	p2 =	seq.s32 s10, $0x1;
	s10 =	sld [smem:$0x3FB8]  }
0x3d: {  	_ =	shalt  }
0x3e: {  	_ =	shalt  }
0x3f: {  	_ =	shalt  }
0x40: {  	_ =	shalt  }
0x41: {  	_ =	shalt  }
0x42: {  	_ =	shalt  }
0x43: {  	_ =	shalt  }
0x44: {  	_ =	shalt  }
0x45: {  	_ =	shalt  }
0x46: {  	_ =	shalt  }
0x47: {  	_ =	shalt  }
0x48: {  	_ =	shalt  }
0x49: {  	_ =	shalt  }
0x4a: {  	_ =	shalt  }
0x4b: {  	_ =	shalt  }
0x4c: {  	_ =	shalt  }
0x4d: {  	_ =	shalt  }
0x4e: {  	_ =	shalt  }
0x4f: {  	_ =	shalt  }
0x50: {  	_ =	shalt  }
0x51: {  	_ =	shalt  }
0x52: {  	_ =	shalt  }
0x53: {  	_ =	shalt  }
0x54: {  	_ =	shalt  }
0x55: {  	_ =	shalt  }
0x56: {  	_ =	shalt  }
0x57: {  	_ =	shalt  }
0x58: {  	_ =	shalt  }
0x59: {  	_ =	shalt  }
0x5a: {  	_ =	shalt  }
0x5b: {  	_ =	shalt  }
0x5c: {  	_ =	shalt  }
0x5d: {  	_ =	shalt  }
0x5e: {  	_ =	shalt  }
0x5f: {  	_ =	shalt  }
0x60: {  	_ =	shalt  }
0x61: {  	_ =	shalt  }
0x62: {  	_ =	shalt  }
0x63: {  	_ =	shalt  }
0x64: {  	_ =	shalt  }
0x65: {  	_ =	shalt  }
0x66: {  	_ =	shalt  }
0x67: {  	_ =	shalt  }
0x68: {  	_ =	shalt  }
0x69: {  	_ =	shalt  }
0x6a: {  	_ =	shalt  }
0x6b: {  	_ =	shalt  }
0x6c: {  	_ =	shalt  }
0x6d: {  	_ =	shalt  }
0x6e: {  	_ =	shalt  }
0x6f: {  	_ =	shalt  }
0x70: {  	_ =	shalt  }
0x71: {  	_ =	shalt  }
0x72: {  	_ =	shalt  }
0x73: {  	_ =	shalt  }
0x74: {  	_ =	shalt  }
0x75: {  	_ =	shalt  }
0x76: {  	_ =	shalt  }
0x77: {  	_ =	shalt  }
0x78: {  	_ =	shalt  }
0x79: {  	_ =	shalt  }
0x7a: {  	_ =	shalt  }
0x7b: {  	_ =	shalt  }
0x7c: {  	_ =	shalt  }
0x7d: {  	_ =	shalt  }
0x7e: {  	_ =	shalt  }
0x7f: {  	_ =	shalt  }
0x80: {  	_ =	shalt  }
0x81: {  	_ =	shalt  }
0x82: {  	_ =	shalt  }
0x83: {  	_ =	shalt  }
0x84: {  	_ =	shalt  }
0x85: {  	_ =	shalt  }
0x86: {  	_ =	shalt  }
0x87: {  	_ =	shalt  }
.Lfunc_end0:
.L_simem_size_0:
called_computation_lowered:
.L_overlay_start_0:
0x88: {  	s2 =	sld [smem:$0x3FD9]  }
0x89: {  	s3 =	sld [smem:$0x3FFE];
	_ =	sdelay $0x1  }
0x8a: {  	s1 =	srdreg.scid  }
0x8b: {  	s0 =	sand.u32 $0x1, s1  }
0x8c: {  	s17 =	sshll.u32 s0, $0xA;
	s2 =	sadd.s32 s3, s2  }
0x8d: {  	s2 =	sadd.s32 s2, s17  }
0x8e: {  	[smem:$0x3FC4] =	sst s2  }
0x8f: {  	_ = 	snop  }
0x90: {  	s2 =	sld [smem:$0x3FC7]  }
0x91: {  	s18 =	sld [smem:$0x3FD0];
	(tm) =	ssettm $0x1  }
0x92: {  	s4 =	sld [smem:$0x3FFB];
	_ =	sdelay $0x3  }
0x93: {  	_ =	strace s4  }
0x94: {  	s4 =	sld [smem:$0x3FFC];
	_ =	sdelay $0x3  }
0x95: {  	_ =	strace s4  }
0x96: {  	s4 =	sld [smem:$0x3FFD];
	_ =	sdelay $0x3  }
0x97: {  	_ =	strace s4  }
0x98: {  	_ =	strace $0x8FFFFFFF  }
0x99: {  	s19 =	sld [smem:$0x3FDB];
	_ =	sdelay $0x1  }
0x9a: {  	s5 =	simm.s32 $_scs_section_size  }
0x9b: {  	s6 =	simm.s32 $_size__tile_overlayer_lowered;
	s7 =	simm.s32 $_tile_overlayer_lowered  }
0x9c: {  	s22 =	simm.s32 $0x1BFF;
	s21 =	sshll.u32 s7, $0x1;
	s4 =	sadd.s32 s5, s19  }
0x9d: {  	s8 =	simm.s32 $0x0;
	s20 =	sshll.u32 s6, $0x1;
	s6 =	sadd.s32 s21, s4  }
0x9e: {  	[timem:s8], [sflag:s22] =	dma.local [hbm:s6], s20  }
0x9f: {  	_ =	swait.ge [sflag:s22], s20  }
0xa0: {  	s5 =	ssub.s32 $0x0, s20;
	[sflag:s22] =	ssyncset.done $0x0  }
0xa1: {  	[sflag:s22] =	ssyncadd.s32 s5;
	_ =	sdelay $0x1  }
0xa2: {  	s23 =	simm.s32 $0x1B8B  }
0xa3: {  	_ =	swait.ge [sflag:s23], $0x1  }
0xa4: {  	[sflag:s23] =	ssyncset.done $0x0  }
0xa5: {  	s25 =	simm.s32 $0x1B8E;
	s24 =	sld [smem:$0x3FFE];
	[sflag:s23] =	ssyncadd.s32 $0xFFFFFFFF  }
0xa6: {  	s26 =	simm.s32 $execute0_lowered;
	[smem:$0x3FD2] =	sst s25  }
0xa7: {  	s6 =	sshll.u32 s26, $0x1;
	_ =	strace $0x80000046;
	[dreg:$0x1] =	wrdreg $0xFFFFFFFF  }
0xa8: {  	s28 =	simm.s32 $_size_execute0_lowered;
	s4 =	sadd.s32 s4, s6;
	[dreg:$0x0] =	wrdreg $0x0  }
0xa9: {  	s6 =	sshll.u32 s28, $0x1;
	[dreg:$0x2] =	wrdreg s4  }
0xaa: {  	[dreg:$0x3] =	wrdreg s6  }
0xab: {  	[dreg:$0x4] =	wrdreg $0xC0  }
0xac: {  	_ =	task [dreg:s8], $0x5FFFF  }
0xad: {  	[dreg:$0x1] =	wrdreg $0xFFFFFFFF  }
0xae: {  	[dreg:$0x0] =	wrdreg $0x60  }
0xaf: {  	[dreg:$0x2] =	wrdreg s24  }
0xb0: {  	[dreg:$0x3] =	wrdreg s2  }
0xb1: {  	[dreg:$0x4] =	wrdreg s18  }
0xb2: {  	[dreg:$0x5] =	wrdreg $0x13A600  }
0xb3: {  	[dreg:$0x6] =	wrdreg $0x9  }
0xb4: {  	_ =	task.clear_ibuf [dreg:s8], $0x7FFFF;
	_ =	strace $0x90000046  }
0xb5: {  	s29 =	simm.s32 $0x9;
	_ =	strace $0x80000048  }
0xb6: {  	_ =	swait.ge [sflag:s29], $0x1  }
0xb7: {  	[sflag:s29] =	ssyncadd.s32 $0xFFFFFFFF  }
0xb8: {  	_ =	strace $0x90000048  }
0xb9: {  	_ =	sfence  }
0xba: {  	s30 =	sld [smem:$0x0];
	_ =	sdelay $0x2  }
0xbb: {  	s31 =	sshll.u32 s1, $0xD;
	s1 =	sshrl.u32 s1, $0x2  }
0xbc: {  	s3 =	sand.u32 $0x4000, s31;
	s1 =	sadd.s32 s1, s30  }
0xbd: {  	s0 =	sor.u32 s3, s0;
	s1 =	sshll.u32 s1, $0x11  }
0xbe: {  	s0 =	sor.u32 s1, s0  }
0xbf: {  	s0 =	sadd.s32 $0x8F2B, s0  }
0xc0: {  	[sflag:s0] =	ssyncadd.remote.s32 $0x1  }
0xc1: {  	_ =	sfence.sel $0xFFFF  }
0xc2: {  	[dreg:$0x0] =	wrdreg $0xFFFFFFFF;
	(pc) =	sbr.abs _section_cstart, $3  }
0xc3: {  	[dreg:$0x1] =	wrdreg $0xFFFFFFFF  }
0xc4: {  	_ =	task.clear_ibuf [dreg:s8], $0x2FFFF;
	_ =	strace $0x9FFFFFFF  }
0xc5: {  	(tm) =	ssettm $0x7FFFFFFF  }
tec
execute0_lowered:
.L_overlay_start_1:
0x0: {  	(tag) =	ssettag $0x1  }
0x1: {  	s0 =	rddreg [dreg:$0x0]  }
0x2: {  	s1 =	rddreg [dreg:$0x1]  }
0x3: {  	s10 =	rddreg [dreg:$0x2]  }
0x4: {  	s2 =	rddreg [dreg:$0x3];
	s3 =	simm.s32 $0x0  }
0x5: {  	s14 =	stileid.u32;
	s4 =	srdreg.scid;
	s16 =	simm.s32 $0x50  }
0x6: {  	s21 =	simm.s32 $0xF0;
	s28 =	simm.s32 $0x1;
	s29 =	simm.s32 $0x10  }
0x7: {  	s30 =	simm.s32 $0x0;
	[smem:$0x7FF] =	sst s3;
	s9 =	smul.u32 $0x9C4, s14  }
0x8: {  	s11 =	sand.u32 $0x1, s4;
	s4 =	sadd.s32 $0x400, s0;
	s7 =	smul.u32 $0x27100, s14  }
0x9: {  	s5 =	sadd.s32 $0x3B200, s0;
	s12 =	smul.u32 $0x13880, s14;
	s24 =	sshll.u32 s14, $0x6  }
0xa: {  	_ =	strace $0x80000047;
	s6 =	ssub.s32 $0x2, s11;
	s25 =	sshll.u32 s11, $0x6  }
0xb: {  	s31 =	smul.u32 $0x2710, s11;
	s8 =	sadd.s32 s9, s0;
	s22 =	sshrl.u32 s6, $0x1  }
0xc: {  	s23 =	sshrl.u32 s7, $0x2;
	s12 =	sor.u32 s25, s12;
	s9 =	sadd.s32 s1, s9  }
0xd: {  	s25 =	simm.s32 $0x5;
	s0 =	ssub.s32 s6, s22;
	s13 =	sadd.s32 s23, s2  }
0xe: {  	s6 =	sor.u32 $0x1C09, s24;
	s7 =	sadd.s32 $0x31400, s8;
	s8 =	sadd.s32 $0x27600, s8  }
0xf: {  	s26 =	sshrl.u32 s12, $0x3;
	s22 =	simm.s32 $0x12660;
	s23 =	simm.s32 $0x7  }
0x10: {  	s24 =	simm.s32 $0x8;
	s10 =	sadd.s32 s10, s26;
	s11 =	smax.u32 s0, $0x1  }
0x11: {  	v0 =	vmov s31;
	s12 =	sshrl.u32 s13, $0x3;
	s13 =	simm.s32 $0x9;
	s26 =	simm.s32 $0x6  }
.LBB2_1:
0x12: {  	[spmem:s12], [sflag:s6] =	dma.local [hbm:s5], $0x1388  }
0x13: {  	_ =	swait.ge [sflag:s13], $0x1388  }
0x14: {  	[sflag:s13] =	ssyncset.done $0x0  }
0x15: {  	[sflag:s13] =	ssyncadd.s32 $0xFFFFEC78  }
0x16: {  	[tilespmem:s3], [sflag:$0x9] =	stream.linear.gather [hbm4b:s7+s3], $0x4E20, $0x38;
	[tilespmem:$0x1D6A0] =	vst v63  }
0x17: {  	_ =	swait.ge [sflag:s13], $0x4E20  }
0x18: {  	[sflag:s13] =	ssyncset.done $0x0  }
0x19: {  	s0 =	simm.s32 $0x4E20;
	[sflag:s13] =	ssyncadd.s32 $0xFFFFB1E0  }
0x1a: {  	[tilespmem:s0], [sflag:$0x9] =	stream.linear.gather [hbm4b:s8+s3], $0x4E20, $0x38;
	[tilespmem:$0x1D6A0] =	vst v63  }
0x1b: {  	_ =	swait.ge [sflag:s13], $0x4E20  }
0x1c: {  	[sflag:s13] =	ssyncset.done $0x0  }
0x1d: {  	s31 =	simm.s32 $0x9C40;
	[sflag:s13] =	ssyncadd.s32 $0xFFFFB1E0  }
0x1e: {  	[tilespmem:s31], [sflag:$0x9] =	stream.linear.gather [hbm4b:s9+s3], $0x4E20, $0x38;
	[tilespmem:$0x1D6A0] =	vst v63  }
0x1f: {  	_ =	swait.ge [sflag:s13], $0x4E20  }
0x20: {  	[sflag:s13] =	ssyncset.done $0x0  }
0x21: {  	s0 =	simm.s32 $0x0;
	[sflag:s13] =	ssyncadd.s32 $0xFFFFB1E0  }
0x22: {  	v4 =	vld [tilespmem:s0+$0x0]  }
0x23: {  	v3 =	vld [tilespmem:s0+$0x10]  }
0x24: {  	v2 =	vld [tilespmem:s0+$0x20]  }
0x25: {  	s1 =	simm.s32 $0x140;
	v1 =	vld [tilespmem:s0+$0x30]  }
.LBB2_2:
0x26: {  	p0 =	sne.s32 s1, $0x13740;
	v5 =	vld [tilespmem:s0+$0x40]  }
0x27: {  	v4 =	vadd.s32 v0, v4  }
.Ltmp0:
0x28: {  	s14 =	sshra.s32 s1, $0x2;
	[tilespmem:s0+$0x0] =	vst v4;
	v3 =	vadd.s32 v0, v3;
	(pc) =	sbr.rel @p0 .LBB2_2-.Ltmp0, $4  }
0x29: {  	v4 =	vld [tilespmem:s14+$0x0];
	[tilespmem:s0+$0x10] =	vst v3;
	v2 =	vadd.s32 v0, v2  }
0x2a: {  	v3 =	vld [tilespmem:s14+$0x10];
	[tilespmem:s0+$0x20] =	vst v2;
	v1 =	vadd.s32 v0, v1  }
0x2b: {  	v2 =	vld [tilespmem:s14+$0x20];
	[tilespmem:s0+$0x30] =	vst v1;
	v5 =	vadd.s32 v0, v5  }
0x2c: {  	s1 =	sadd.s32 $0x140, s1;
	v1 =	vld [tilespmem:s14+$0x30];
	[tilespmem:s0+$0x40] =	vst v5;
	s0 =	smov.u32 s14  }
0x2d: {  	v5 =	vld [tilespmem:s0+$0x40]  }
0x2e: {  	v4 =	vadd.s32 v0, v4  }
0x2f: {  	[tilespmem:s0+$0x0] =	vst v4;
	v3 =	vadd.s32 v0, v3  }
0x30: {  	[tilespmem:s0+$0x10] =	vst v3;
	v2 =	vadd.s32 v0, v2  }
0x31: {  	[tilespmem:s0+$0x20] =	vst v2;
	v1 =	vadd.s32 v0, v1  }
0x32: {  	[tilespmem:s0+$0x30] =	vst v1;
	v1 =	vadd.s32 v0, v5  }
0x33: {  	[tilespmem:s0+$0x40] =	vst v1  }
0x34: {  	s31 =	simm.s32 $0x0;
	s18 =	simm.s32 $0xEA60;
	[bflag:$0x0] =	sbarrier.arrive $0xFFFF  }
0x35: {  	[tilespmem:s18], [sflag:$0x1] =	stream.indirect.gather [hbm4b:s4+s16], $0x40, s31, s16, $0xb8;
	[tilespmem:$0x1D6A0] =	vst v63  }
0x36: {  	s19 =	simm.s32 $0xFE60  }
0x37: {  	[tilespmem:s19], [sflag:$0x2] =	stream.indirect.gather [hbm4b:s4+s16], $0x40, s16, s16, $0xb8;
	[tilespmem:$0x1D6A0] =	vst v63  }
0x38: {  	s20 =	simm.s32 $0xA0;
	s1 =	simm.s32 $0x11260  }
0x39: {  	[tilespmem:s1], [sflag:$0x3] =	stream.indirect.gather [hbm4b:s4+s16], $0x40, s20, s16, $0xb8;
	[tilespmem:$0x1D6A0] =	vst v63  }
0x3a: {  	s0 =	simm.s32 $0x9C40;
	s1 =	simm.s32 $0x0  }
0x3b: {  	[tilespmem:s22], [sflag:$0x4] =	stream.indirect.gather [hbm4b:s4+s16], $0x40, s21, s16, $0xb8;
	[tilespmem:$0x1D6A0] =	vst v63  }
.LBB2_4:
0x3c: {  	s14 =	sand.u32 $0x3, s31;
	s15 =	sand.u32 $0x3, s1  }
0x3d: {  	s14 =	smul.u32 $0x5000, s14;
	s17 =	sadd.s32 $0x1, s15  }
0x3e: {  	v1 =	vmov s0;
	s19 =	smul.u32 $0x5000, s15;
	_ =	swait.ge [sflag:s17], $0x1400  }
0x3f: {  	s14 =	sshrl.u32 s14, $0x2;
	[sflag:s17] =	ssyncset.done $0x0  }
0x40: {  	s20 =	sshrl.u32 s19, $0x2;
	s19 =	simm.s32 $0x0;
	s18 =	sadd.s32 $0xEC60, s14  }
0x41: {  	[sflag:s17] =	ssyncadd.s32 $0xFFFFEC00;
	s14 =	smul.u32 $0x140, s1;
	s17 =	sadd.s32 $0xEA60, s20  }
.LBB2_5:
0x42: {  	s20 =	sshra.s32 s19, $0x2  }
0x43: {  	v2 =	vld.idx.msk [tilespmem:v1+s20+$0x0 ss:$0x1], $0xffff;
	_ =	sdelay $0x1  }
0x44: {  	v3 =	vld [tilespmem:s18+$0xFFFFFE00];
	_ =	sdelay $0x2  }
0x45: {  	v4 =	vbroadcast v2, $0x0;
	_ =	sdelay $0x1  }
0x46: {  	v3 =	vmul.f32 v4, v3;
	_ =	sdelay $0x1  }
0x47: {  	[tilespmem:s18+$0xFFFFFE00] =	vst v3;
	v3 =	vld [tilespmem:s18+$0xFFFFFE10];
	_ =	sdelay $0x4  }
0x48: {  	v3 =	vmul.f32 v3, v4;
	_ =	sdelay $0x1  }
0x49: {  	[tilespmem:s18+$0xFFFFFE10] =	vst v3;
	v3 =	vld [tilespmem:s18+$0xFFFFFE20];
	_ =	sdelay $0x4  }
0x4a: {  	v3 =	vmul.f32 v3, v4;
	_ =	sdelay $0x1  }
0x4b: {  	[tilespmem:s18+$0xFFFFFE20] =	vst v3;
	v3 =	vld [tilespmem:s18+$0xFFFFFE30];
	_ =	sdelay $0x4  }
0x4c: {  	v3 =	vmul.f32 v3, v4;
	_ =	sdelay $0x1  }
0x4d: {  	[tilespmem:s18+$0xFFFFFE30] =	vst v3;
	v3 =	vld [tilespmem:s18+$0xFFFFFE40];
	_ =	sdelay $0x2  }
0x4e: {  	v50 =	vbroadcast v2, $0x1;
	_ =	sdelay $0x1  }
0x4f: {  	v3 =	vmul.f32 v3, v50;
	_ =	sdelay $0x1  }
0x50: {  	[tilespmem:s18+$0xFFFFFE40] =	vst v3;
	v3 =	vld [tilespmem:s18+$0xFFFFFE50];
	_ =	sdelay $0x4  }
0x51: {  	v3 =	vmul.f32 v3, v50;
	_ =	sdelay $0x1  }
0x52: {  	[tilespmem:s18+$0xFFFFFE50] =	vst v3;
	v3 =	vld [tilespmem:s18+$0xFFFFFE60];
	_ =	sdelay $0x4  }
0x53: {  	v3 =	vmul.f32 v3, v50;
	_ =	sdelay $0x1  }
0x54: {  	[tilespmem:s18+$0xFFFFFE60] =	vst v3;
	v3 =	vld [tilespmem:s18+$0xFFFFFE70];
	_ =	sdelay $0x4  }
0x55: {  	v3 =	vmul.f32 v3, v50;
	_ =	sdelay $0x1  }
0x56: {  	[tilespmem:s18+$0xFFFFFE70] =	vst v3;
	v3 =	vld [tilespmem:s18+$0xFFFFFE80];
	_ =	sdelay $0x2  }
0x57: {  	v51 =	vbroadcast v2, $0x2;
	_ =	sdelay $0x1  }
0x58: {  	v3 =	vmul.f32 v3, v51;
	_ =	sdelay $0x1  }
0x59: {  	[tilespmem:s18+$0xFFFFFE80] =	vst v3;
	v3 =	vld [tilespmem:s18+$0xFFFFFE90];
	_ =	sdelay $0x4  }
0x5a: {  	v3 =	vmul.f32 v3, v51;
	_ =	sdelay $0x1  }
0x5b: {  	[tilespmem:s18+$0xFFFFFE90] =	vst v3;
	v3 =	vld [tilespmem:s18+$0xFFFFFEA0];
	_ =	sdelay $0x4  }
0x5c: {  	v3 =	vmul.f32 v3, v51;
	_ =	sdelay $0x1  }
0x5d: {  	[tilespmem:s18+$0xFFFFFEA0] =	vst v3;
	v3 =	vld [tilespmem:s18+$0xFFFFFEB0];
	_ =	sdelay $0x4  }
0x5e: {  	v3 =	vmul.f32 v3, v51;
	_ =	sdelay $0x1  }
0x5f: {  	[tilespmem:s18+$0xFFFFFEB0] =	vst v3;
	v3 =	vld [tilespmem:s18+$0xFFFFFEC0];
	_ =	sdelay $0x2  }
0x60: {  	v52 =	vbroadcast v2, $0x3;
	_ =	sdelay $0x1  }
0x61: {  	v3 =	vmul.f32 v3, v52;
	_ =	sdelay $0x1  }
0x62: {  	[tilespmem:s18+$0xFFFFFEC0] =	vst v3;
	v3 =	vld [tilespmem:s18+$0xFFFFFED0];
	_ =	sdelay $0x4  }
0x63: {  	v3 =	vmul.f32 v3, v52;
	_ =	sdelay $0x1  }
0x64: {  	[tilespmem:s18+$0xFFFFFED0] =	vst v3;
	v3 =	vld [tilespmem:s18+$0xFFFFFEE0];
	_ =	sdelay $0x4  }
0x65: {  	v3 =	vmul.f32 v3, v52;
	_ =	sdelay $0x1  }
0x66: {  	[tilespmem:s18+$0xFFFFFEE0] =	vst v3;
	v3 =	vld [tilespmem:s18+$0xFFFFFEF0];
	_ =	sdelay $0x4  }
0x67: {  	v3 =	vmul.f32 v3, v52;
	_ =	sdelay $0x1  }
0x68: {  	[tilespmem:s18+$0xFFFFFEF0] =	vst v3;
	v3 =	vld [tilespmem:s18+$0xFFFFFF00];
	_ =	sdelay $0x2  }
0x69: {  	v53 =	vbroadcast v2, $0x4;
	_ =	sdelay $0x1  }
0x6a: {  	v3 =	vmul.f32 v3, v53;
	_ =	sdelay $0x1  }
0x6b: {  	[tilespmem:s18+$0xFFFFFF00] =	vst v3;
	v3 =	vld [tilespmem:s18+$0xFFFFFF10];
	_ =	sdelay $0x4  }
0x6c: {  	v3 =	vmul.f32 v3, v53;
	_ =	sdelay $0x1  }
0x6d: {  	[tilespmem:s18+$0xFFFFFF10] =	vst v3;
	v3 =	vld [tilespmem:s18+$0xFFFFFF20];
	_ =	sdelay $0x4  }
0x6e: {  	v3 =	vmul.f32 v3, v53;
	_ =	sdelay $0x1  }
0x6f: {  	[tilespmem:s18+$0xFFFFFF20] =	vst v3;
	v3 =	vld [tilespmem:s18+$0xFFFFFF30];
	_ =	sdelay $0x4  }
0x70: {  	v3 =	vmul.f32 v3, v53;
	_ =	sdelay $0x1  }
0x71: {  	[tilespmem:s18+$0xFFFFFF30] =	vst v3;
	v3 =	vld [tilespmem:s18+$0xFFFFFF40];
	_ =	sdelay $0x2  }
0x72: {  	v54 =	vbroadcast v2, $0x5;
	_ =	sdelay $0x1  }
0x73: {  	v3 =	vmul.f32 v3, v54;
	_ =	sdelay $0x1  }
0x74: {  	[tilespmem:s18+$0xFFFFFF40] =	vst v3;
	v3 =	vld [tilespmem:s18+$0xFFFFFF50];
	_ =	sdelay $0x4  }
0x75: {  	v3 =	vmul.f32 v3, v54;
	_ =	sdelay $0x1  }
0x76: {  	[tilespmem:s18+$0xFFFFFF50] =	vst v3;
	v3 =	vld [tilespmem:s18+$0xFFFFFF60];
	_ =	sdelay $0x4  }
0x77: {  	v3 =	vmul.f32 v3, v54;
	_ =	sdelay $0x1  }
0x78: {  	[tilespmem:s18+$0xFFFFFF60] =	vst v3;
	v3 =	vld [tilespmem:s18+$0xFFFFFF70];
	_ =	sdelay $0x4  }
0x79: {  	v3 =	vmul.f32 v3, v54;
	_ =	sdelay $0x1  }
0x7a: {  	[tilespmem:s18+$0xFFFFFF70] =	vst v3;
	v3 =	vld [tilespmem:s18+$0xFFFFFF80];
	_ =	sdelay $0x2  }
0x7b: {  	v55 =	vbroadcast v2, $0x6;
	_ =	sdelay $0x1  }
0x7c: {  	v3 =	vmul.f32 v3, v55;
	_ =	sdelay $0x1  }
0x7d: {  	[tilespmem:s18+$0xFFFFFF80] =	vst v3;
	v3 =	vld [tilespmem:s18+$0xFFFFFF90];
	_ =	sdelay $0x4  }
0x7e: {  	v3 =	vmul.f32 v3, v55;
	_ =	sdelay $0x1  }
0x7f: {  	[tilespmem:s18+$0xFFFFFF90] =	vst v3;
	v3 =	vld [tilespmem:s18+$0xFFFFFFA0];
	_ =	sdelay $0x4  }
0x80: {  	v3 =	vmul.f32 v3, v55;
	_ =	sdelay $0x1  }
0x81: {  	[tilespmem:s18+$0xFFFFFFA0] =	vst v3;
	v3 =	vld [tilespmem:s18+$0xFFFFFFB0];
	_ =	sdelay $0x4  }
0x82: {  	v3 =	vmul.f32 v3, v55;
	_ =	sdelay $0x1  }
0x83: {  	[tilespmem:s18+$0xFFFFFFB0] =	vst v3;
	v3 =	vld [tilespmem:s18+$0xFFFFFFC0];
	_ =	sdelay $0x2  }
0x84: {  	v56 =	vbroadcast v2, $0x7;
	_ =	sdelay $0x1  }
0x85: {  	v3 =	vmul.f32 v3, v56;
	_ =	sdelay $0x1  }
0x86: {  	[tilespmem:s18+$0xFFFFFFC0] =	vst v3;
	v3 =	vld [tilespmem:s18+$0xFFFFFFD0];
	_ =	sdelay $0x4  }
0x87: {  	v3 =	vmul.f32 v3, v56;
	_ =	sdelay $0x1  }
0x88: {  	[tilespmem:s18+$0xFFFFFFD0] =	vst v3;
	v3 =	vld [tilespmem:s18+$0xFFFFFFE0];
	_ =	sdelay $0x4  }
0x89: {  	v3 =	vmul.f32 v3, v56;
	_ =	sdelay $0x1  }
0x8a: {  	[tilespmem:s18+$0xFFFFFFE0] =	vst v3;
	v3 =	vld [tilespmem:s18+$0xFFFFFFF0];
	_ =	sdelay $0x4  }
0x8b: {  	v3 =	vmul.f32 v3, v56;
	_ =	sdelay $0x1  }
0x8c: {  	[tilespmem:s18+$0xFFFFFFF0] =	vst v3;
	v3 =	vld [tilespmem:s18+$0x0];
	_ =	sdelay $0x2  }
0x8d: {  	v57 =	vbroadcast v2, $0x8;
	_ =	sdelay $0x1  }
0x8e: {  	v3 =	vmul.f32 v3, v57;
	_ =	sdelay $0x1  }
0x8f: {  	[tilespmem:s18+$0x0] =	vst v3;
	v3 =	vld [tilespmem:s18+$0x10];
	_ =	sdelay $0x4  }
0x90: {  	v3 =	vmul.f32 v3, v57;
	_ =	sdelay $0x1  }
0x91: {  	[tilespmem:s18+$0x10] =	vst v3;
	v3 =	vld [tilespmem:s18+$0x20];
	_ =	sdelay $0x4  }
0x92: {  	v3 =	vmul.f32 v3, v57;
	_ =	sdelay $0x1  }
0x93: {  	[tilespmem:s18+$0x20] =	vst v3;
	v3 =	vld [tilespmem:s18+$0x30];
	_ =	sdelay $0x4  }
0x94: {  	v3 =	vmul.f32 v3, v57;
	_ =	sdelay $0x1  }
0x95: {  	[tilespmem:s18+$0x30] =	vst v3;
	v3 =	vld [tilespmem:s18+$0x40];
	_ =	sdelay $0x2  }
0x96: {  	v58 =	vbroadcast v2, $0x9;
	_ =	sdelay $0x1  }
0x97: {  	v3 =	vmul.f32 v3, v58;
	_ =	sdelay $0x1  }
0x98: {  	[tilespmem:s18+$0x40] =	vst v3;
	v3 =	vld [tilespmem:s18+$0x50];
	_ =	sdelay $0x4  }
0x99: {  	v3 =	vmul.f32 v3, v58;
	_ =	sdelay $0x1  }
0x9a: {  	[tilespmem:s18+$0x50] =	vst v3;
	v3 =	vld [tilespmem:s18+$0x60];
	_ =	sdelay $0x4  }
0x9b: {  	v3 =	vmul.f32 v3, v58;
	_ =	sdelay $0x1  }
0x9c: {  	[tilespmem:s18+$0x60] =	vst v3;
	v3 =	vld [tilespmem:s18+$0x70];
	_ =	sdelay $0x4  }
0x9d: {  	v3 =	vmul.f32 v3, v58;
	_ =	sdelay $0x1  }
0x9e: {  	[tilespmem:s18+$0x70] =	vst v3;
	v3 =	vld [tilespmem:s18+$0x80];
	_ =	sdelay $0x2  }
0x9f: {  	v59 =	vbroadcast v2, $0xA;
	_ =	sdelay $0x1  }
0xa0: {  	v3 =	vmul.f32 v3, v59;
	_ =	sdelay $0x1  }
0xa1: {  	[tilespmem:s18+$0x80] =	vst v3;
	v3 =	vld [tilespmem:s18+$0x90];
	_ =	sdelay $0x4  }
0xa2: {  	v3 =	vmul.f32 v3, v59;
	_ =	sdelay $0x1  }
0xa3: {  	[tilespmem:s18+$0x90] =	vst v3;
	v3 =	vld [tilespmem:s18+$0xA0];
	_ =	sdelay $0x4  }
0xa4: {  	v3 =	vmul.f32 v3, v59;
	_ =	sdelay $0x1  }
0xa5: {  	[tilespmem:s18+$0xA0] =	vst v3;
	v3 =	vld [tilespmem:s18+$0xB0];
	_ =	sdelay $0x4  }
0xa6: {  	v3 =	vmul.f32 v3, v59;
	_ =	sdelay $0x1  }
0xa7: {  	[tilespmem:s18+$0xB0] =	vst v3;
	v3 =	vld [tilespmem:s18+$0xC0];
	_ =	sdelay $0x2  }
0xa8: {  	v60 =	vbroadcast v2, $0xB;
	_ =	sdelay $0x1  }
0xa9: {  	v3 =	vmul.f32 v3, v60;
	_ =	sdelay $0x1  }
0xaa: {  	[tilespmem:s18+$0xC0] =	vst v3;
	v3 =	vld [tilespmem:s18+$0xD0];
	_ =	sdelay $0x4  }
0xab: {  	v3 =	vmul.f32 v3, v60;
	_ =	sdelay $0x1  }
0xac: {  	[tilespmem:s18+$0xD0] =	vst v3;
	v3 =	vld [tilespmem:s18+$0xE0];
	_ =	sdelay $0x4  }
0xad: {  	v3 =	vmul.f32 v3, v60;
	_ =	sdelay $0x1  }
0xae: {  	[tilespmem:s18+$0xE0] =	vst v3;
	v3 =	vld [tilespmem:s18+$0xF0];
	_ =	sdelay $0x4  }
0xaf: {  	v3 =	vmul.f32 v3, v60;
	_ =	sdelay $0x1  }
0xb0: {  	[tilespmem:s18+$0xF0] =	vst v3;
	v3 =	vld [tilespmem:s18+$0x100];
	_ =	sdelay $0x2  }
0xb1: {  	v61 =	vbroadcast v2, $0xC;
	_ =	sdelay $0x1  }
0xb2: {  	v3 =	vmul.f32 v3, v61;
	_ =	sdelay $0x1  }
0xb3: {  	[tilespmem:s18+$0x100] =	vst v3;
	v3 =	vld [tilespmem:s18+$0x110];
	_ =	sdelay $0x4  }
0xb4: {  	v3 =	vmul.f32 v3, v61;
	_ =	sdelay $0x1  }
0xb5: {  	[tilespmem:s18+$0x110] =	vst v3;
	v3 =	vld [tilespmem:s18+$0x120];
	_ =	sdelay $0x4  }
0xb6: {  	v3 =	vmul.f32 v3, v61;
	_ =	sdelay $0x1  }
0xb7: {  	[tilespmem:s18+$0x120] =	vst v3;
	v3 =	vld [tilespmem:s18+$0x130];
	_ =	sdelay $0x4  }
0xb8: {  	v3 =	vmul.f32 v3, v61;
	_ =	sdelay $0x1  }
0xb9: {  	[tilespmem:s18+$0x130] =	vst v3;
	v3 =	vld [tilespmem:s18+$0x140];
	_ =	sdelay $0x2  }
0xba: {  	v62 =	vbroadcast v2, $0xD;
	_ =	sdelay $0x1  }
0xbb: {  	v3 =	vmul.f32 v3, v62;
	_ =	sdelay $0x1  }
0xbc: {  	[tilespmem:s18+$0x140] =	vst v3;
	v3 =	vld [tilespmem:s18+$0x150];
	_ =	sdelay $0x4  }
0xbd: {  	v3 =	vmul.f32 v3, v62;
	_ =	sdelay $0x1  }
0xbe: {  	[tilespmem:s18+$0x150] =	vst v3;
	v3 =	vld [tilespmem:s18+$0x160];
	_ =	sdelay $0x4  }
0xbf: {  	v3 =	vmul.f32 v3, v62;
	_ =	sdelay $0x1  }
0xc0: {  	[tilespmem:s18+$0x160] =	vst v3;
	v3 =	vld [tilespmem:s18+$0x170];
	_ =	sdelay $0x4  }
0xc1: {  	v3 =	vmul.f32 v3, v62;
	_ =	sdelay $0x1  }
0xc2: {  	[tilespmem:s18+$0x170] =	vst v3;
	v3 =	vld [tilespmem:s18+$0x180];
	_ =	sdelay $0x2  }
0xc3: {  	v63 =	vbroadcast v2, $0xE;
	_ =	sdelay $0x1  }
0xc4: {  	v3 =	vmul.f32 v3, v63;
	_ =	sdelay $0x1  }
0xc5: {  	[tilespmem:s18+$0x180] =	vst v3;
	v3 =	vld [tilespmem:s18+$0x190];
	_ =	sdelay $0x4  }
0xc6: {  	v3 =	vmul.f32 v3, v63;
	_ =	sdelay $0x1  }
0xc7: {  	[tilespmem:s18+$0x190] =	vst v3;
	v3 =	vld [tilespmem:s18+$0x1A0];
	_ =	sdelay $0x4  }
0xc8: {  	v3 =	vmul.f32 v3, v63;
	_ =	sdelay $0x1  }
0xc9: {  	[tilespmem:s18+$0x1A0] =	vst v3;
	v3 =	vld [tilespmem:s18+$0x1B0];
	_ =	sdelay $0x4  }
0xca: {  	v3 =	vmul.f32 v3, v63;
	_ =	sdelay $0x1  }
0xcb: {  	[tilespmem:s18+$0x1B0] =	vst v3;
	v3 =	vld [tilespmem:s18+$0x1C0];
	_ =	sdelay $0x2  }
0xcc: {  	v2 =	vbroadcast v2, $0xF;
	_ =	sdelay $0x1  }
0xcd: {  	v3 =	vmul.f32 v3, v2;
	_ =	sdelay $0x1  }
0xce: {  	[tilespmem:s18+$0x1C0] =	vst v3;
	v3 =	vld [tilespmem:s18+$0x1D0];
	_ =	sdelay $0x4  }
0xcf: {  	v3 =	vmul.f32 v3, v2;
	_ =	sdelay $0x1  }
0xd0: {  	[tilespmem:s18+$0x1D0] =	vst v3;
	v3 =	vld [tilespmem:s18+$0x1E0];
	_ =	sdelay $0x4  }
0xd1: {  	v3 =	vmul.f32 v3, v2;
	_ =	sdelay $0x1  }
0xd2: {  	[tilespmem:s18+$0x1E0] =	vst v3;
	v3 =	vld [tilespmem:s18+$0x1F0];
	_ =	sdelay $0x1  }
0xd3: {  	p0 =	sne.s32 s19, $0x100  }
.Ltmp1:
0xd4: {  	_ = 	snop;
	(pc) =	sbr.rel @p0 .LBB2_5-.Ltmp1, $3  }
0xd5: {  	_ = 	snop  }
0xd6: {  	v2 =	vmul.f32 v3, v2;
	_ =	sdelay $0x1  }
0xd7: {  	s19 =	sadd.s32 $0x40, s19;
	[tilespmem:s18+$0x1F0] =	vst v2;
	s18 =	sadd.s32 $0x400, s18  }
0xd8: {  	s18 =	sshra.s32 s14, $0x2;
	s20 =	sadd.s32 $0xFFFFFFFF, s1  }
0xd9: {  	s15 =	sadd.s32 $0x5, s15;
	s18 =	sadd.s32 $0x4E20, s18;
	p0 =	sgt.u32 s20, $0xF5  }
0xda: {  	[spmem:s2] =	stream.indirect.scatter.add.f32 [tilespmem:s17], [sflag:s15], $0x40, s18, s16, $0xb8;
	[tilespmem:$0x1D6A0] =	vst v63  }
0xdb: {  	s15 =	sadd.s32 @!p0 $0xFFFFFFFF, s1  }
0xdc: {  	s15 =	sand.u32 @!p0 $0x3, s15  }
0xdd: {  	s14 =	sshra.s32 @!p0 s14, $0x2;
	s17 =	smul.u32 @!p0 $0x5000, s15;
	s18 =	sadd.s32 @!p0 $0x5, s15  }
0xde: {  	s1 =	sadd.s32 $0x1, s1;
	s14 =	sadd.s32 @!p0 $0xF0, s14;
	_ =	swait.ge @!p0 [sflag:s18], $0x1400  }
0xdf: {  	s15 =	sadd.s32 @!p0 $0x1, s15;
	s17 =	sshrl.u32 @!p0 s17, $0x2;
	[sflag:s18] =	ssyncset.done @!p0 $0x0  }
0xe0: {  	s17 =	sadd.s32 @!p0 $0xEA60, s17;
	[sflag:s18] =	ssyncadd.s32 @!p0 $0xFFFFEC00;
	s18 =	simm.s32 @!p0 $0x50  }
0xe1: {  	[tilespmem:s17], [sflag:s15] =	stream.indirect.gather @!p0 [hbm4b:s4+s18], $0x40, s14, s18, $0xb8;
	[tilespmem:$0x1D6A0] =	vst v63  }
0xe2: {  	p0 =	sne.s32 s1, $0xFA  }
.Ltmp2:
0xe3: {  	_ = 	snop;
	(pc) =	sbr.rel @p0 .LBB2_4-.Ltmp2, $2  }
0xe4: {  	_ =	sdelay $0x2  }
0xe5: {  	s0 =	sadd.s32 $0x50, s0;
	s31 =	sadd.s32 $0x1, s31  }
0xe6: {  	_ =	swait.ge [sflag:s23], $0x1400  }
0xe7: {  	[sflag:s23] =	ssyncset.done $0x0  }
0xe8: {  	[sflag:s23] =	ssyncadd.s32 $0xFFFFEC00  }
0xe9: {  	_ =	swait.ge [sflag:s24], $0x1400  }
0xea: {  	[sflag:s24] =	ssyncset.done $0x0  }
0xeb: {  	[sflag:s24] =	ssyncadd.s32 $0xFFFFEC00  }
0xec: {  	_ =	swait.ge [sflag:s25], $0x1400  }
0xed: {  	[sflag:s25] =	ssyncset.done $0x0  }
0xee: {  	[sflag:s25] =	ssyncadd.s32 $0xFFFFEC00  }
0xef: {  	_ =	swait.ge [sflag:s26], $0x1400  }
0xf0: {  	s30 =	sadd.s32 $0x1, s30;
	[sflag:s26] =	ssyncset.done $0x0  }
0xf1: {  	p0 =	sne.s32 s30, s11;
	[sflag:s26] =	ssyncadd.s32 $0xFFFFEC00  }
.Ltmp3:
0xf2: {  	[bflag:$0x0] =	sbarrier.arrive $0xFFFF;
	(pc) =	sbr.rel @p0 .LBB2_1-.Ltmp3, $4  }
0xf3: {  	[hbm:s10@s29], [sflag:s6] =	dma.strided [spmem:s12@s24], $0x1388, s28, $0x8   }
0xf4: {  	_ =	swait.ge [sflag:s13], $0x1388  }
0xf5: {  	[sflag:s13] =	ssyncset.done $0x0  }
0xf6: {  	[sflag:s13] =	ssyncadd.s32 $0xFFFFEC78  }
0xf7: {  	_ =	sfence.sel $0x180000  }
0xf8: {  	[bflag:$0x0] =	sbarrier.arrive $0xFFFF  }
0xf9: {  	_ =	strace $0x90000047  }
0xfa: {  	s0 =	stileid.u32;
	[bflag:$0x2] =	sbarrier.arrive $0xFFFF  }
0xfb: {  	p0 =	sne.s32 s0, $0x0;
	s0 =	rddreg [dreg:$0x4]  }
0xfc: {  	s0 =	sadd.s32 @!p0 $0x100000, s0  }
0xfd: {  	[sflag:s0] =	ssyncadd.tile.s32 @!p0 $0x1;
	_ =	shalt  }
.Lfunc_end2:
_tile_overlayer_lowered:
.L_overlay_start_2:
0xfe: {  	(tag) =	ssettag $0x2  }
0xff: {  	s0 =	rddreg [dreg:$0x0];
	s2 =	stileid.u32  }
0x100: {  	s1 =	rddreg [dreg:$0x1];
	p0 =	sne.s32 s2, $0x0  }
0x101: {  	s3 =	rddreg [dreg:$0x2];
	[bflag:$0x3] =	sbarrier.arrive $0xFFFF;
	s2 =	simm.s32 @!p0 $0x1C09  }
0x102: {  	[timem:s3], [sflag:s2] =	dma.local @!p0 [hbm:s0], s1  }
0x103: {  	s0 =	simm.s32 @!p0 $0x9  }
0x104: {  	_ =	swait.ge @!p0 [sflag:s0], s1  }
0x105: {  	s1 =	ssub.s32 @!p0 $0x0, s1;
	[sflag:s0] =	ssyncset.done @!p0 $0x0  }
0x106: {  	[sflag:s0] =	ssyncadd.s32 @!p0 s1  }
0x107: {  	[bflag:$0x3] =	sbarrier.arrive $0xFFFF  }
0x108: {  	_ =	shalt  }

</sc_bundles>
